<compile_context>
chip_gen: v7x
topology: tpu7x:2x2x1
jax: 0.10.2.dev20260603
libtpu: 0.0.44.dev20260713+nightly
codegen_flags: <defaults>
</compile_context>

<pallas_src>
import functools

import jax
import jax.numpy as jnp
from jax import lax
from jax.experimental import pallas as pl
from jax.experimental.pallas import tpu as pltpu
from jax.experimental.pallas import tpu_sc as plsc

NC, NS = 2, 16
NW = NC * NS
B, D, V = 16384, 512, 10
VP = 16
CH = 32
NB = 4
NCH = B // (NW * CH)
ROWS_W = B // NW
L = 16

_mesh = plsc.VectorSubcoreMesh(core_axis_name="c", subcore_axis_name="s")


@functools.partial(
    pl.kernel,
    mesh=_mesh,
    out_type=jax.ShapeDtypeStruct((B, D), jnp.float32),
    scratch_types=[
        pltpu.VMEM((ROWS_W,), jnp.int32),
        pltpu.VMEM((NB, CH, D), jnp.float32),
        pltpu.VMEM_SHARED((VP, D), jnp.float32),
        pltpu.SemaphoreType.DMA,
        pltpu.SemaphoreType.DMA,
    ],
)
def _lookup_kernel(ids_hbm, table_hbm, out_hbm, idx_v, bufs, table_sh,
                   sem_g, sem_s):
    sid = lax.axis_index("s")
    wid = sid * NC + lax.axis_index("c")
    base = wid * ROWS_W

    @pl.when(sid == 0)
    def _():
        pltpu.sync_copy(table_hbm, table_sh)

    pltpu.sync_copy(ids_hbm.at[pl.ds(base, ROWS_W)], idx_v)
    plsc.subcore_barrier()

    def chunk_body(j, carry):
        slot = lax.rem(j, NB)
        buf = bufs.at[slot]

        @pl.when(j >= NB)
        def _():
            pltpu.make_async_copy(
                out_hbm.at[pl.ds(base, CH)], buf, sem_s).wait()

        def g_body(g, c):
            vec = idx_v[pl.ds(j * CH + g * L, L)]
            for k in range(L):
                pltpu.async_copy(table_sh.at[vec[k]], buf.at[g * L + k], sem_g)
            return c

        lax.fori_loop(0, CH // L, g_body, 0)
        pltpu.make_async_copy(out_hbm.at[pl.ds(base, CH)], buf, sem_g).wait()
        pltpu.async_copy(buf, out_hbm.at[pl.ds(base + j * CH, CH)], sem_s)
        return carry

    lax.fori_loop(0, NCH, chunk_body, 0)
    for b in range(NB):
        pltpu.make_async_copy(out_hbm.at[pl.ds(base, CH)], bufs.at[b], sem_s).wait()


def kernel(class_ids, table):
    table_p = jnp.zeros((VP, D), table.dtype).at[:V].set(table)
    return _lookup_kernel(class_ids.astype(jnp.int32), table_p)

# --- scband reference (transcript-rebuilt; emitter-appended) ---
"""Pipeline reference for scband-simple-text-encoder-13881334300922 (READ-ONLY COPY).

The authoritative reference and input builder live on the scoring server;
editing this copy changes nothing except your own understanding.
"""

import jax, jax.numpy as jnp
import numpy as np

EMBED_DIM = 512
NUM_EMBEDDINGS = 10
BATCH = 16384

def setup_inputs(seed: int = 0) -> dict:
    key = jax.random.key(seed)
    k_idx, k_tab = jax.random.split(key)
    class_ids = jax.random.randint(k_idx, (BATCH,), 0, NUM_EMBEDDINGS, dtype=jnp.int64 if jax.config.jax_enable_x64 else jnp.int32)
    table = jax.random.normal(k_tab, (NUM_EMBEDDINGS, EMBED_DIM), dtype=jnp.float32)
    return {"class_ids": class_ids, "table": table}

def reference(class_ids, table):
    # Equivalent to nn.Embedding(num_embeddings=10, embedding_dim=512)(class_ids)
    x = jnp.take(table, class_ids, axis=0)
    return x

if __name__ == "__main__":
    import jax
    _d = setup_inputs()
    print(jax.jit(kernel)(*tuple(_d.values())))

</pallas_src>

<mosaic_0001>
#map = affine_map<(d0, d1) -> (0)>
#map1 = affine_map<(d0, d1) -> (0, 0)>
module attributes {stable_mosaic.version = 14 : i64} {
  func.func @_lookup_kernel(%arg0: i32, %arg1: i32, %arg2: memref<16384xi32, #tpu.memory_space<hbm>>, %arg3: memref<16x512xf32, #tpu.memory_space<hbm>>, %arg4: memref<16384x512xf32, #tpu.memory_space<hbm>>, %arg5: memref<512xi32, #tpu.memory_space<vmem>>, %arg6: memref<4x32x512xf32, #tpu.memory_space<vmem>>, %arg7: memref<16x512xf32, #tpu.memory_space<vmem_shared>>, %arg8: memref<!tpu.dma_semaphore, #tpu.memory_space<semaphore_mem>>, %arg9: memref<!tpu.dma_semaphore, #tpu.memory_space<semaphore_mem>>) attributes {dimension_semantics = [#tpu.dimension_semantics<core_parallel>, #tpu.dimension_semantics<subcore_parallel>], iteration_bounds = array<i64: 2, 16>, scalar_prefetch = 0 : i64, scratch_operands = 5 : i64, tpu.core_type = #tpu.core_type<sc_vector_subcore>, window_params = [{transform_indices = #map}, {transform_indices = #map1}, {transform_indices = #map1}]} {
    %mul3A = arith.constant 2 : i32
    %mul3A_0 = arith.muli %arg1, %mul3A : i32
    %add3A = arith.addi %mul3A_0, %arg0 : i32
    %mul3A_1 = arith.constant 512 : i32
    %mul3A_2 = arith.muli %add3A, %mul3A_1 : i32
    %eq3A = arith.constant 0 : i32
    %eq3A_3 = arith.cmpi eq, %arg1, %eq3A : i32
    %convert_element_type3A = arith.extui %eq3A_3 : i1 to i32
    %cond3A = arith.constant 0 : i32
    %cond3A_4 = arith.cmpi ne, %convert_element_type3A, %cond3A : i32
    scf.if %cond3A_4 {
      "tpu.region"() ({
        %run_scoped3A = tpu.sem_alloc : memref<!tpu.dma_semaphore, #tpu.memory_space<semaphore_mem>>
        tpu.enqueue_dma source(%arg3 : memref<16x512xf32, #tpu.memory_space<hbm>>) target(%arg7 : memref<16x512xf32, #tpu.memory_space<vmem_shared>>) target_semaphore(%run_scoped3A : memref<!tpu.dma_semaphore, #tpu.memory_space<semaphore_mem>>)
        tpu.wait_dma2 semaphore(%run_scoped3A : memref<!tpu.dma_semaphore, #tpu.memory_space<semaphore_mem>>) src(%arg3 : memref<16x512xf32, #tpu.memory_space<hbm>>) dst(%arg7 : memref<16x512xf32, #tpu.memory_space<vmem_shared>>)
        tpu.yield
      }) : () -> ()
    } else {
    }
    "tpu.region"() ({
      %run_scoped3A = tpu.sem_alloc : memref<!tpu.dma_semaphore, #tpu.memory_space<semaphore_mem>>
      %dma_start3A = tpu.memref_slice %arg2[%mul3A_2] : memref<16384xi32, #tpu.memory_space<hbm>> -> memref<512xi32, #tpu.memory_space<hbm>>
      %dma_start3A_61 = tpu.memref_slice %arg2[%mul3A_2] : memref<16384xi32, #tpu.memory_space<hbm>> -> memref<512xi32, #tpu.memory_space<hbm>>
      tpu.enqueue_dma source(%dma_start3A_61 : memref<512xi32, #tpu.memory_space<hbm>>) target(%arg5 : memref<512xi32, #tpu.memory_space<vmem>>) target_semaphore(%run_scoped3A : memref<!tpu.dma_semaphore, #tpu.memory_space<semaphore_mem>>)
      %dma_wait3A_62 = tpu.memref_slice %arg2[%mul3A_2] : memref<16384xi32, #tpu.memory_space<hbm>> -> memref<512xi32, #tpu.memory_space<hbm>>
      %dma_wait3A_63 = tpu.memref_slice %arg2[%mul3A_2] : memref<16384xi32, #tpu.memory_space<hbm>> -> memref<512xi32, #tpu.memory_space<hbm>>
      tpu.wait_dma2 semaphore(%run_scoped3A : memref<!tpu.dma_semaphore, #tpu.memory_space<semaphore_mem>>) src(%dma_wait3A_63 : memref<512xi32, #tpu.memory_space<hbm>>) dst(%arg5 : memref<512xi32, #tpu.memory_space<vmem>>)
      tpu.yield
    }) : () -> ()
    %barrier3A = arith.constant 0 : index
    tpu.barrier barrier_id(%barrier3A)
    %scan3A = arith.constant 0 : i32
    %scan3A_5 = arith.constant 0 : i32
    %scan3A_6 = arith.constant 16 : i32
    %scan3A_7 = arith.addi %scan3A_5, %scan3A_6 : i32
    %scan3A_8 = arith.constant 1 : i32
    scf.for %scan3A_61 = %scan3A_5 to %scan3A_7 step %scan3A_8  : i32 {
      %rem3A = arith.constant 4 : i32
      %rem3A_62 = arith.remsi %scan3A_61, %rem3A : i32
      %ge3A = arith.constant 4 : i32
      %ge3A_63 = arith.cmpi sge, %scan3A_61, %ge3A : i32
      %convert_element_type3A_64 = arith.extui %ge3A_63 : i1 to i32
      %cond3A_65 = arith.constant 0 : i32
      %cond3A_66 = arith.cmpi ne, %convert_element_type3A_64, %cond3A_65 : i32
      scf.if %cond3A_66 {
        %dma_wait3A_99 = arith.constant 0 : i32
        %dma_wait3A_100 = arith.constant 0 : i32
        %dma_wait3A_101 = tpu.memref_slice %arg6[%rem3A_62, %dma_wait3A_99, %dma_wait3A_100] : memref<4x32x512xf32, #tpu.memory_space<vmem>> -> memref<1x32x512xf32, #tpu.memory_space<vmem>>
        %dma_wait3A_102 = tpu.memref_squeeze %dma_wait3A_101 : memref<1x32x512xf32, #tpu.memory_space<vmem>> -> memref<32x512xf32, #tpu.memory_space<vmem>>
        %dma_wait3A_103 = arith.constant 0 : i32
        %dma_wait3A_104 = tpu.memref_slice %arg4[%mul3A_2, %dma_wait3A_103] : memref<16384x512xf32, #tpu.memory_space<hbm>> -> memref<32x512xf32, #tpu.memory_space<hbm>>
        %dma_wait3A_105 = arith.constant 0 : i32
        %dma_wait3A_106 = arith.constant 0 : i32
        %dma_wait3A_107 = tpu.memref_slice %arg6[%rem3A_62, %dma_wait3A_105, %dma_wait3A_106] : memref<4x32x512xf32, #tpu.memory_space<vmem>> -> memref<1x32x512xf32, #tpu.memory_space<vmem>>
        %dma_wait3A_108 = tpu.memref_squeeze %dma_wait3A_107 : memref<1x32x512xf32, #tpu.memory_space<vmem>> -> memref<32x512xf32, #tpu.memory_space<vmem>>
        %dma_wait3A_109 = arith.constant 0 : i32
        %dma_wait3A_110 = tpu.memref_slice %arg4[%mul3A_2, %dma_wait3A_109] : memref<16384x512xf32, #tpu.memory_space<hbm>> -> memref<32x512xf32, #tpu.memory_space<hbm>>
        tpu.wait_dma2 semaphore(%arg9 : memref<!tpu.dma_semaphore, #tpu.memory_space<semaphore_mem>>) src(%dma_wait3A_110 : memref<32x512xf32, #tpu.memory_space<hbm>>) dst(%dma_wait3A_108 : memref<32x512xf32, #tpu.memory_space<vmem>>)
      } else {
      }
      %scan3A_67 = arith.constant 0 : i32
      %scan3A_68 = arith.constant 0 : i32
      %scan3A_69 = arith.constant 2 : i32
      %scan3A_70 = arith.addi %scan3A_68, %scan3A_69 : i32
      %scan3A_71 = arith.constant 1 : i32
      scf.for %scan3A_99 = %scan3A_68 to %scan3A_70 step %scan3A_71  : i32 {
        %mul3A_100 = arith.constant 32 : i32
        %mul3A_101 = arith.muli %scan3A_61, %mul3A_100 : i32
        %mul3A_102 = arith.constant 16 : i32
        %mul3A_103 = arith.muli %scan3A_99, %mul3A_102 : i32
        %add3A_104 = arith.addi %mul3A_101, %mul3A_103 : i32
        %get3A = arith.index_cast %add3A_104 : i32 to index
        %get3A_105 = tpu.vector_load %arg5[%get3A] {strides = array<i32>} : memref<512xi32, #tpu.memory_space<vmem>>, vector<16xi32>,
        %get3A_106 = vector.shape_cast %get3A_105 : vector<16xi32> to vector<16xi32>
        %slice3A = vector.extract_strided_slice %get3A_106 {offsets = [0], sizes = [1], strides = [1]} : vector<16xi32> to vector<1xi32>
        %squeeze3A = vector.extract %slice3A[0] : i32 from vector<1xi32>
        %mul3A_107 = arith.constant 16 : i32
        %mul3A_108 = arith.muli %scan3A_99, %mul3A_107 : i32
        %add3A_109 = arith.constant 0 : i32
        %add3A_110 = arith.addi %mul3A_108, %add3A_109 : i32
        %dma_start3A_111 = arith.constant 0 : i32
        %dma_start3A_112 = arith.constant 0 : i32
        %dma_start3A_113 = tpu.memref_slice %arg6[%rem3A_62, %dma_start3A_111, %dma_start3A_112] : memref<4x32x512xf32, #tpu.memory_space<vmem>> -> memref<1x32x512xf32, #tpu.memory_space<vmem>>
        %dma_start3A_114 = tpu.memref_squeeze %dma_start3A_113 : memref<1x32x512xf32, #tpu.memory_space<vmem>> -> memref<32x512xf32, #tpu.memory_space<vmem>>
        %dma_start3A_115 = arith.constant 0 : i32
        %dma_start3A_116 = tpu.memref_slice %dma_start3A_114[%add3A_110, %dma_start3A_115] : memref<32x512xf32, #tpu.memory_space<vmem>> -> memref<1x512xf32, #tpu.memory_space<vmem>>
        %dma_start3A_117 = tpu.memref_squeeze %dma_start3A_116 : memref<1x512xf32, #tpu.memory_space<vmem>> -> memref<512xf32, #tpu.memory_space<vmem>>
        %dma_start3A_118 = arith.constant 0 : i32
        %dma_start3A_119 = tpu.memref_slice %arg7[%squeeze3A, %dma_start3A_118] : memref<16x512xf32, #tpu.memory_space<vmem_shared>> -> memref<1x512xf32, #tpu.memory_space<vmem_shared>>
        %dma_start3A_120 = tpu.memref_squeeze %dma_start3A_119 : memref<1x512xf32, #tpu.memory_space<vmem_shared>> -> memref<512xf32, #tpu.memory_space<vmem_shared>>
        %dma_start3A_121 = arith.constant 0 : i32
        %dma_start3A_122 = arith.constant 0 : i32
        %dma_start3A_123 = tpu.memref_slice %arg6[%rem3A_62, %dma_start3A_121, %dma_start3A_122] : memref<4x32x512xf32, #tpu.memory_space<vmem>> -> memref<1x32x512xf32, #tpu.memory_space<vmem>>
        %dma_start3A_124 = tpu.memref_squeeze %dma_start3A_123 : memref<1x32x512xf32, #tpu.memory_space<vmem>> -> memref<32x512xf32, #tpu.memory_space<vmem>>
        %dma_start3A_125 = arith.constant 0 : i32
        %dma_start3A_126 = tpu.memref_slice %dma_start3A_124[%add3A_110, %dma_start3A_125] : memref<32x512xf32, #tpu.memory_space<vmem>> -> memref<1x512xf32, #tpu.memory_space<vmem>>
        %dma_start3A_127 = tpu.memref_squeeze %dma_start3A_126 : memref<1x512xf32, #tpu.memory_space<vmem>> -> memref<512xf32, #tpu.memory_space<vmem>>
        %dma_start3A_128 = arith.constant 0 : i32
        %dma_start3A_129 = tpu.memref_slice %arg7[%squeeze3A, %dma_start3A_128] : memref<16x512xf32, #tpu.memory_space<vmem_shared>> -> memref<1x512xf32, #tpu.memory_space<vmem_shared>>
        %dma_start3A_130 = tpu.memref_squeeze %dma_start3A_129 : memref<1x512xf32, #tpu.memory_space<vmem_shared>> -> memref<512xf32, #tpu.memory_space<vmem_shared>>
        tpu.enqueue_dma source(%dma_start3A_130 : memref<512xf32, #tpu.memory_space<vmem_shared>>) target(%dma_start3A_127 : memref<512xf32, #tpu.memory_space<vmem>>) target_semaphore(%arg8 : memref<!tpu.dma_semaphore, #tpu.memory_space<semaphore_mem>>)
        %slice3A_131 = vector.extract_strided_slice %get3A_106 {offsets = [1], sizes = [1], strides = [1]} : vector<16xi32> to vector<1xi32>
        %squeeze3A_132 = vector.extract %slice3A_131[0] : i32 from vector<1xi32>
        %mul3A_133 = arith.constant 16 : i32
        %mul3A_134 = arith.muli %scan3A_99, %mul3A_133 : i32
        %add3A_135 = arith.constant 1 : i32
        %add3A_136 = arith.addi %mul3A_134, %add3A_135 : i32
        %dma_start3A_137 = arith.constant 0 : i32
        %dma_start3A_138 = arith.constant 0 : i32
        %dma_start3A_139 = tpu.memref_slice %arg6[%rem3A_62, %dma_start3A_137, %dma_start3A_138] : memref<4x32x512xf32, #tpu.memory_space<vmem>> -> memref<1x32x512xf32, #tpu.memory_space<vmem>>
        %dma_start3A_140 = tpu.memref_squeeze %dma_start3A_139 : memref<1x32x512xf32, #tpu.memory_space<vmem>> -> memref<32x512xf32, #tpu.memory_space<vmem>>
        %dma_start3A_141 = arith.constant 0 : i32
        %dma_start3A_142 = tpu.memref_slice %dma_start3A_140[%add3A_136, %dma_start3A_141] : memref<32x512xf32, #tpu.memory_space<vmem>> -> memref<1x512xf32, #tpu.memory_space<vmem>>
        %dma_start3A_143 = tpu.memref_squeeze %dma_start3A_142 : memref<1x512xf32, #tpu.memory_space<vmem>> -> memref<512xf32, #tpu.memory_space<vmem>>
        %dma_start3A_144 = arith.constant 0 : i32
        %dma_start3A_145 = tpu.memref_slice %arg7[%squeeze3A_132, %dma_start3A_144] : memref<16x512xf32, #tpu.memory_space<vmem_shared>> -> memref<1x512xf32, #tpu.memory_space<vmem_shared>>
        %dma_start3A_146 = tpu.memref_squeeze %dma_start3A_145 : memref<1x512xf32, #tpu.memory_space<vmem_shared>> -> memref<512xf32, #tpu.memory_space<vmem_shared>>
        %dma_start3A_147 = arith.constant 0 : i32
        %dma_start3A_148 = arith.constant 0 : i32
        %dma_start3A_149 = tpu.memref_slice %arg6[%rem3A_62, %dma_start3A_147, %dma_start3A_148] : memref<4x32x512xf32, #tpu.memory_space<vmem>> -> memref<1x32x512xf32, #tpu.memory_space<vmem>>
        %dma_start3A_150 = tpu.memref_squeeze %dma_start3A_149 : memref<1x32x512xf32, #tpu.memory_space<vmem>> -> memref<32x512xf32, #tpu.memory_space<vmem>>
        %dma_start3A_151 = arith.constant 0 : i32
        %dma_start3A_152 = tpu.memref_slice %dma_start3A_150[%add3A_136, %dma_start3A_151] : memref<32x512xf32, #tpu.memory_space<vmem>> -> memref<1x512xf32, #tpu.memory_space<vmem>>
        %dma_start3A_153 = tpu.memref_squeeze %dma_start3A_152 : memref<1x512xf32, #tpu.memory_space<vmem>> -> memref<512xf32, #tpu.memory_space<vmem>>
        %dma_start3A_154 = arith.constant 0 : i32
        %dma_start3A_155 = tpu.memref_slice %arg7[%squeeze3A_132, %dma_start3A_154] : memref<16x512xf32, #tpu.memory_space<vmem_shared>> -> memref<1x512xf32, #tpu.memory_space<vmem_shared>>
        %dma_start3A_156 = tpu.memref_squeeze %dma_start3A_155 : memref<1x512xf32, #tpu.memory_space<vmem_shared>> -> memref<512xf32, #tpu.memory_space<vmem_shared>>
        tpu.enqueue_dma source(%dma_start3A_156 : memref<512xf32, #tpu.memory_space<vmem_shared>>) target(%dma_start3A_153 : memref<512xf32, #tpu.memory_space<vmem>>) target_semaphore(%arg8 : memref<!tpu.dma_semaphore, #tpu.memory_space<semaphore_mem>>)
        %slice3A_157 = vector.extract_strided_slice %get3A_106 {offsets = [2], sizes = [1], strides = [1]} : vector<16xi32> to vector<1xi32>
        %squeeze3A_158 = vector.extract %slice3A_157[0] : i32 from vector<1xi32>
        %mul3A_159 = arith.constant 16 : i32
        %mul3A_160 = arith.muli %scan3A_99, %mul3A_159 : i32
        %add3A_161 = arith.constant 2 : i32
        %add3A_162 = arith.addi %mul3A_160, %add3A_161 : i32
        %dma_start3A_163 = arith.constant 0 : i32
        %dma_start3A_164 = arith.constant 0 : i32
        %dma_start3A_165 = tpu.memref_slice %arg6[%rem3A_62, %dma_start3A_163, %dma_start3A_164] : memref<4x32x512xf32, #tpu.memory_space<vmem>> -> memref<1x32x512xf32, #tpu.memory_space<vmem>>
        %dma_start3A_166 = tpu.memref_squeeze %dma_start3A_165 : memref<1x32x512xf32, #tpu.memory_space<vmem>> -> memref<32x512xf32, #tpu.memory_space<vmem>>
        %dma_start3A_167 = arith.constant 0 : i32
        %dma_start3A_168 = tpu.memref_slice %dma_start3A_166[%add3A_162, %dma_start3A_167] : memref<32x512xf32, #tpu.memory_space<vmem>> -> memref<1x512xf32, #tpu.memory_space<vmem>>
        %dma_start3A_169 = tpu.memref_squeeze %dma_start3A_168 : memref<1x512xf32, #tpu.memory_space<vmem>> -> memref<512xf32, #tpu.memory_space<vmem>>
        %dma_start3A_170 = arith.constant 0 : i32
        %dma_start3A_171 = tpu.memref_slice %arg7[%squeeze3A_158, %dma_start3A_170] : memref<16x512xf32, #tpu.memory_space<vmem_shared>> -> memref<1x512xf32, #tpu.memory_space<vmem_shared>>
        %dma_start3A_172 = tpu.memref_squeeze %dma_start3A_171 : memref<1x512xf32, #tpu.memory_space<vmem_shared>> -> memref<512xf32, #tpu.memory_space<vmem_shared>>
        %dma_start3A_173 = arith.constant 0 : i32
        %dma_start3A_174 = arith.constant 0 : i32
        %dma_start3A_175 = tpu.memref_slice %arg6[%rem3A_62, %dma_start3A_173, %dma_start3A_174] : memref<4x32x512xf32, #tpu.memory_space<vmem>> -> memref<1x32x512xf32, #tpu.memory_space<vmem>>
        %dma_start3A_176 = tpu.memref_squeeze %dma_start3A_175 : memref<1x32x512xf32, #tpu.memory_space<vmem>> -> memref<32x512xf32, #tpu.memory_space<vmem>>
        %dma_start3A_177 = arith.constant 0 : i32
        %dma_start3A_178 = tpu.memref_slice %dma_start3A_176[%add3A_162, %dma_start3A_177] : memref<32x512xf32, #tpu.memory_space<vmem>> -> memref<1x512xf32, #tpu.memory_space<vmem>>
        %dma_start3A_179 = tpu.memref_squeeze %dma_start3A_178 : memref<1x512xf32, #tpu.memory_space<vmem>> -> memref<512xf32, #tpu.memory_space<vmem>>
        %dma_start3A_180 = arith.constant 0 : i32
        %dma_start3A_181 = tpu.memref_slice %arg7[%squeeze3A_158, %dma_start3A_180] : memref<16x512xf32, #tpu.memory_space<vmem_shared>> -> memref<1x512xf32, #tpu.memory_space<vmem_shared>>
        %dma_start3A_182 = tpu.memref_squeeze %dma_start3A_181 : memref<1x512xf32, #tpu.memory_space<vmem_shared>> -> memref<512xf32, #tpu.memory_space<vmem_shared>>
        tpu.enqueue_dma source(%dma_start3A_182 : memref<512xf32, #tpu.memory_space<vmem_shared>>) target(%dma_start3A_179 : memref<512xf32, #tpu.memory_space<vmem>>) target_semaphore(%arg8 : memref<!tpu.dma_semaphore, #tpu.memory_space<semaphore_mem>>)
        %slice3A_183 = vector.extract_strided_slice %get3A_106 {offsets = [3], sizes = [1], strides = [1]} : vector<16xi32> to vector<1xi32>
        %squeeze3A_184 = vector.extract %slice3A_183[0] : i32 from vector<1xi32>
        %mul3A_185 = arith.constant 16 : i32
        %mul3A_186 = arith.muli %scan3A_99, %mul3A_185 : i32
        %add3A_187 = arith.constant 3 : i32
        %add3A_188 = arith.addi %mul3A_186, %add3A_187 : i32
        %dma_start3A_189 = arith.constant 0 : i32
        %dma_start3A_190 = arith.constant 0 : i32
        %dma_start3A_191 = tpu.memref_slice %arg6[%rem3A_62, %dma_start3A_189, %dma_start3A_190] : memref<4x32x512xf32, #tpu.memory_space<vmem>> -> memref<1x32x512xf32, #tpu.memory_space<vmem>>
        %dma_start3A_192 = tpu.memref_squeeze %dma_start3A_191 : memref<1x32x512xf32, #tpu.memory_space<vmem>> -> memref<32x512xf32, #tpu.memory_space<vmem>>
        %dma_start3A_193 = arith.constant 0 : i32
        %dma_start3A_194 = tpu.memref_slice %dma_start3A_192[%add3A_188, %dma_start3A_193] : memref<32x512xf32, #tpu.memory_space<vmem>> -> memref<1x512xf32, #tpu.memory_space<vmem>>
        %dma_start3A_195 = tpu.memref_squeeze %dma_start3A_194 : memref<1x512xf32, #tpu.memory_space<vmem>> -> memref<512xf32, #tpu.memory_space<vmem>>
        %dma_start3A_196 = arith.constant 0 : i32
        %dma_start3A_197 = tpu.memref_slice %arg7[%squeeze3A_184, %dma_start3A_196] : memref<16x512xf32, #tpu.memory_space<vmem_shared>> -> memref<1x512xf32, #tpu.memory_space<vmem_shared>>
        %dma_start3A_198 = tpu.memref_squeeze %dma_start3A_197 : memref<1x512xf32, #tpu.memory_space<vmem_shared>> -> memref<512xf32, #tpu.memory_space<vmem_shared>>
        %dma_start3A_199 = arith.constant 0 : i32
        %dma_start3A_200 = arith.constant 0 : i32
        %dma_start3A_201 = tpu.memref_slice %arg6[%rem3A_62, %dma_start3A_199, %dma_start3A_200] : memref<4x32x512xf32, #tpu.memory_space<vmem>> -> memref<1x32x512xf32, #tpu.memory_space<vmem>>
        %dma_start3A_202 = tpu.memref_squeeze %dma_start3A_201 : memref<1x32x512xf32, #tpu.memory_space<vmem>> -> memref<32x512xf32, #tpu.memory_space<vmem>>
        %dma_start3A_203 = arith.constant 0 : i32
        %dma_start3A_204 = tpu.memref_slice %dma_start3A_202[%add3A_188, %dma_start3A_203] : memref<32x512xf32, #tpu.memory_space<vmem>> -> memref<1x512xf32, #tpu.memory_space<vmem>>
        %dma_start3A_205 = tpu.memref_squeeze %dma_start3A_204 : memref<1x512xf32, #tpu.memory_space<vmem>> -> memref<512xf32, #tpu.memory_space<vmem>>
        %dma_start3A_206 = arith.constant 0 : i32
        %dma_start3A_207 = tpu.memref_slice %arg7[%squeeze3A_184, %dma_start3A_206] : memref<16x512xf32, #tpu.memory_space<vmem_shared>> -> memref<1x512xf32, #tpu.memory_space<vmem_shared>>
        %dma_start3A_208 = tpu.memref_squeeze %dma_start3A_207 : memref<1x512xf32, #tpu.memory_space<vmem_shared>> -> memref<512xf32, #tpu.memory_space<vmem_shared>>
        tpu.enqueue_dma source(%dma_start3A_208 : memref<512xf32, #tpu.memory_space<vmem_shared>>) target(%dma_start3A_205 : memref<512xf32, #tpu.memory_space<vmem>>) target_semaphore(%arg8 : memref<!tpu.dma_semaphore, #tpu.memory_space<semaphore_mem>>)
        %slice3A_209 = vector.extract_strided_slice %get3A_106 {offsets = [4], sizes = [1], strides = [1]} : vector<16xi32> to vector<1xi32>
        %squeeze3A_210 = vector.extract %slice3A_209[0] : i32 from vector<1xi32>
        %mul3A_211 = arith.constant 16 : i32
        %mul3A_212 = arith.muli %scan3A_99, %mul3A_211 : i32
        %add3A_213 = arith.constant 4 : i32
        %add3A_214 = arith.addi %mul3A_212, %add3A_213 : i32
        %dma_start3A_215 = arith.constant 0 : i32
        %dma_start3A_216 = arith.constant 0 : i32
        %dma_start3A_217 = tpu.memref_slice %arg6[%rem3A_62, %dma_start3A_215, %dma_start3A_216] : memref<4x32x512xf32, #tpu.memory_space<vmem>> -> memref<1x32x512xf32, #tpu.memory_space<vmem>>
        %dma_start3A_218 = tpu.memref_squeeze %dma_start3A_217 : memref<1x32x512xf32, #tpu.memory_space<vmem>> -> memref<32x512xf32, #tpu.memory_space<vmem>>
        %dma_start3A_219 = arith.constant 0 : i32
        %dma_start3A_220 = tpu.memref_slice %dma_start3A_218[%add3A_214, %dma_start3A_219] : memref<32x512xf32, #tpu.memory_space<vmem>> -> memref<1x512xf32, #tpu.memory_space<vmem>>
        %dma_start3A_221 = tpu.memref_squeeze %dma_start3A_220 : memref<1x512xf32, #tpu.memory_space<vmem>> -> memref<512xf32, #tpu.memory_space<vmem>>
        %dma_start3A_222 = arith.constant 0 : i32
        %dma_start3A_223 = tpu.memref_slice %arg7[%squeeze3A_210, %dma_start3A_222] : memref<16x512xf32, #tpu.memory_space<vmem_shared>> -> memref<1x512xf32, #tpu.memory_space<vmem_shared>>
        %dma_start3A_224 = tpu.memref_squeeze %dma_start3A_223 : memref<1x512xf32, #tpu.memory_space<vmem_shared>> -> memref<512xf32, #tpu.memory_space<vmem_shared>>
        %dma_start3A_225 = arith.constant 0 : i32
        %dma_start3A_226 = arith.constant 0 : i32
        %dma_start3A_227 = tpu.memref_slice %arg6[%rem3A_62, %dma_start3A_225, %dma_start3A_226] : memref<4x32x512xf32, #tpu.memory_space<vmem>> -> memref<1x32x512xf32, #tpu.memory_space<vmem>>
        %dma_start3A_228 = tpu.memref_squeeze %dma_start3A_227 : memref<1x32x512xf32, #tpu.memory_space<vmem>> -> memref<32x512xf32, #tpu.memory_space<vmem>>
        %dma_start3A_229 = arith.constant 0 : i32
        %dma_start3A_230 = tpu.memref_slice %dma_start3A_228[%add3A_214, %dma_start3A_229] : memref<32x512xf32, #tpu.memory_space<vmem>> -> memref<1x512xf32, #tpu.memory_space<vmem>>
        %dma_start3A_231 = tpu.memref_squeeze %dma_start3A_230 : memref<1x512xf32, #tpu.memory_space<vmem>> -> memref<512xf32, #tpu.memory_space<vmem>>
        %dma_start3A_232 = arith.constant 0 : i32
        %dma_start3A_233 = tpu.memref_slice %arg7[%squeeze3A_210, %dma_start3A_232] : memref<16x512xf32, #tpu.memory_space<vmem_shared>> -> memref<1x512xf32, #tpu.memory_space<vmem_shared>>
        %dma_start3A_234 = tpu.memref_squeeze %dma_start3A_233 : memref<1x512xf32, #tpu.memory_space<vmem_shared>> -> memref<512xf32, #tpu.memory_space<vmem_shared>>
        tpu.enqueue_dma source(%dma_start3A_234 : memref<512xf32, #tpu.memory_space<vmem_shared>>) target(%dma_start3A_231 : memref<512xf32, #tpu.memory_space<vmem>>) target_semaphore(%arg8 : memref<!tpu.dma_semaphore, #tpu.memory_space<semaphore_mem>>)
        %slice3A_235 = vector.extract_strided_slice %get3A_106 {offsets = [5], sizes = [1], strides = [1]} : vector<16xi32> to vector<1xi32>
        %squeeze3A_236 = vector.extract %slice3A_235[0] : i32 from vector<1xi32>
        %mul3A_237 = arith.constant 16 : i32
        %mul3A_238 = arith.muli %scan3A_99, %mul3A_237 : i32
        %add3A_239 = arith.constant 5 : i32
        %add3A_240 = arith.addi %mul3A_238, %add3A_239 : i32
        %dma_start3A_241 = arith.constant 0 : i32
        %dma_start3A_242 = arith.constant 0 : i32
        %dma_start3A_243 = tpu.memref_slice %arg6[%rem3A_62, %dma_start3A_241, %dma_start3A_242] : memref<4x32x512xf32, #tpu.memory_space<vmem>> -> memref<1x32x512xf32, #tpu.memory_space<vmem>>
        %dma_start3A_244 = tpu.memref_squeeze %dma_start3A_243 : memref<1x32x512xf32, #tpu.memory_space<vmem>> -> memref<32x512xf32, #tpu.memory_space<vmem>>
        %dma_start3A_245 = arith.constant 0 : i32
        %dma_start3A_246 = tpu.memref_slice %dma_start3A_244[%add3A_240, %dma_start3A_245] : memref<32x512xf32, #tpu.memory_space<vmem>> -> memref<1x512xf32, #tpu.memory_space<vmem>>
        %dma_start3A_247 = tpu.memref_squeeze %dma_start3A_246 : memref<1x512xf32, #tpu.memory_space<vmem>> -> memref<512xf32, #tpu.memory_space<vmem>>
        %dma_start3A_248 = arith.constant 0 : i32
        %dma_start3A_249 = tpu.memref_slice %arg7[%squeeze3A_236, %dma_start3A_248] : memref<16x512xf32, #tpu.memory_space<vmem_shared>> -> memref<1x512xf32, #tpu.memory_space<vmem_shared>>
        %dma_start3A_250 = tpu.memref_squeeze %dma_start3A_249 : memref<1x512xf32, #tpu.memory_space<vmem_shared>> -> memref<512xf32, #tpu.memory_space<vmem_shared>>
        %dma_start3A_251 = arith.constant 0 : i32
        %dma_start3A_252 = arith.constant 0 : i32
        %dma_start3A_253 = tpu.memref_slice %arg6[%rem3A_62, %dma_start3A_251, %dma_start3A_252] : memref<4x32x512xf32, #tpu.memory_space<vmem>> -> memref<1x32x512xf32, #tpu.memory_space<vmem>>
        %dma_start3A_254 = tpu.memref_squeeze %dma_start3A_253 : memref<1x32x512xf32, #tpu.memory_space<vmem>> -> memref<32x512xf32, #tpu.memory_space<vmem>>
        %dma_start3A_255 = arith.constant 0 : i32
        %dma_start3A_256 = tpu.memref_slice %dma_start3A_254[%add3A_240, %dma_start3A_255] : memref<32x512xf32, #tpu.memory_space<vmem>> -> memref<1x512xf32, #tpu.memory_space<vmem>>
        %dma_start3A_257 = tpu.memref_squeeze %dma_start3A_256 : memref<1x512xf32, #tpu.memory_space<vmem>> -> memref<512xf32, #tpu.memory_space<vmem>>
        %dma_start3A_258 = arith.constant 0 : i32
        %dma_start3A_259 = tpu.memref_slice %arg7[%squeeze3A_236, %dma_start3A_258] : memref<16x512xf32, #tpu.memory_space<vmem_shared>> -> memref<1x512xf32, #tpu.memory_space<vmem_shared>>
        %dma_start3A_260 = tpu.memref_squeeze %dma_start3A_259 : memref<1x512xf32, #tpu.memory_space<vmem_shared>> -> memref<512xf32, #tpu.memory_space<vmem_shared>>
        tpu.enqueue_dma source(%dma_start3A_260 : memref<512xf32, #tpu.memory_space<vmem_shared>>) target(%dma_start3A_257 : memref<512xf32, #tpu.memory_space<vmem>>) target_semaphore(%arg8 : memref<!tpu.dma_semaphore, #tpu.memory_space<semaphore_mem>>)
        %slice3A_261 = vector.extract_strided_slice %get3A_106 {offsets = [6], sizes = [1], strides = [1]} : vector<16xi32> to vector<1xi32>
        %squeeze3A_262 = vector.extract %slice3A_261[0] : i32 from vector<1xi32>
        %mul3A_263 = arith.constant 16 : i32
        %mul3A_264 = arith.muli %scan3A_99, %mul3A_263 : i32
        %add3A_265 = arith.constant 6 : i32
        %add3A_266 = arith.addi %mul3A_264, %add3A_265 : i32
        %dma_start3A_267 = arith.constant 0 : i32
        %dma_start3A_268 = arith.constant 0 : i32
        %dma_start3A_269 = tpu.memref_slice %arg6[%rem3A_62, %dma_start3A_267, %dma_start3A_268] : memref<4x32x512xf32, #tpu.memory_space<vmem>> -> memref<1x32x512xf32, #tpu.memory_space<vmem>>
        %dma_start3A_270 = tpu.memref_squeeze %dma_start3A_269 : memref<1x32x512xf32, #tpu.memory_space<vmem>> -> memref<32x512xf32, #tpu.memory_space<vmem>>
        %dma_start3A_271 = arith.constant 0 : i32
        %dma_start3A_272 = tpu.memref_slice %dma_start3A_270[%add3A_266, %dma_start3A_271] : memref<32x512xf32, #tpu.memory_space<vmem>> -> memref<1x512xf32, #tpu.memory_space<vmem>>
        %dma_start3A_273 = tpu.memref_squeeze %dma_start3A_272 : memref<1x512xf32, #tpu.memory_space<vmem>> -> memref<512xf32, #tpu.memory_space<vmem>>
        %dma_start3A_274 = arith.constant 0 : i32
        %dma_start3A_275 = tpu.memref_slice %arg7[%squeeze3A_262, %dma_start3A_274] : memref<16x512xf32, #tpu.memory_space<vmem_shared>> -> memref<1x512xf32, #tpu.memory_space<vmem_shared>>
        %dma_start3A_276 = tpu.memref_squeeze %dma_start3A_275 : memref<1x512xf32, #tpu.memory_space<vmem_shared>> -> memref<512xf32, #tpu.memory_space<vmem_shared>>
        %dma_start3A_277 = arith.constant 0 : i32
        %dma_start3A_278 = arith.constant 0 : i32
        %dma_start3A_279 = tpu.memref_slice %arg6[%rem3A_62, %dma_start3A_277, %dma_start3A_278] : memref<4x32x512xf32, #tpu.memory_space<vmem>> -> memref<1x32x512xf32, #tpu.memory_space<vmem>>
        %dma_start3A_280 = tpu.memref_squeeze %dma_start3A_279 : memref<1x32x512xf32, #tpu.memory_space<vmem>> -> memref<32x512xf32, #tpu.memory_space<vmem>>
        %dma_start3A_281 = arith.constant 0 : i32
        %dma_start3A_282 = tpu.memref_slice %dma_start3A_280[%add3A_266, %dma_start3A_281] : memref<32x512xf32, #tpu.memory_space<vmem>> -> memref<1x512xf32, #tpu.memory_space<vmem>>
        %dma_start3A_283 = tpu.memref_squeeze %dma_start3A_282 : memref<1x512xf32, #tpu.memory_space<vmem>> -> memref<512xf32, #tpu.memory_space<vmem>>
        %dma_start3A_284 = arith.constant 0 : i32
        %dma_start3A_285 = tpu.memref_slice %arg7[%squeeze3A_262, %dma_start3A_284] : memref<16x512xf32, #tpu.memory_space<vmem_shared>> -> memref<1x512xf32, #tpu.memory_space<vmem_shared>>
        %dma_start3A_286 = tpu.memref_squeeze %dma_start3A_285 : memref<1x512xf32, #tpu.memory_space<vmem_shared>> -> memref<512xf32, #tpu.memory_space<vmem_shared>>
        tpu.enqueue_dma source(%dma_start3A_286 : memref<512xf32, #tpu.memory_space<vmem_shared>>) target(%dma_start3A_283 : memref<512xf32, #tpu.memory_space<vmem>>) target_semaphore(%arg8 : memref<!tpu.dma_semaphore, #tpu.memory_space<semaphore_mem>>)
        %slice3A_287 = vector.extract_strided_slice %get3A_106 {offsets = [7], sizes = [1], strides = [1]} : vector<16xi32> to vector<1xi32>
        %squeeze3A_288 = vector.extract %slice3A_287[0] : i32 from vector<1xi32>
        %mul3A_289 = arith.constant 16 : i32
        %mul3A_290 = arith.muli %scan3A_99, %mul3A_289 : i32
        %add3A_291 = arith.constant 7 : i32
        %add3A_292 = arith.addi %mul3A_290, %add3A_291 : i32
        %dma_start3A_293 = arith.constant 0 : i32
        %dma_start3A_294 = arith.constant 0 : i32
        %dma_start3A_295 = tpu.memref_slice %arg6[%rem3A_62, %dma_start3A_293, %dma_start3A_294] : memref<4x32x512xf32, #tpu.memory_space<vmem>> -> memref<1x32x512xf32, #tpu.memory_space<vmem>>
        %dma_start3A_296 = tpu.memref_squeeze %dma_start3A_295 : memref<1x32x512xf32, #tpu.memory_space<vmem>> -> memref<32x512xf32, #tpu.memory_space<vmem>>
        %dma_start3A_297 = arith.constant 0 : i32
        %dma_start3A_298 = tpu.memref_slice %dma_start3A_296[%add3A_292, %dma_start3A_297] : memref<32x512xf32, #tpu.memory_space<vmem>> -> memref<1x512xf32, #tpu.memory_space<vmem>>
        %dma_start3A_299 = tpu.memref_squeeze %dma_start3A_298 : memref<1x512xf32, #tpu.memory_space<vmem>> -> memref<512xf32, #tpu.memory_space<vmem>>
        %dma_start3A_300 = arith.constant 0 : i32
        %dma_start3A_301 = tpu.memref_slice %arg7[%squeeze3A_288, %dma_start3A_300] : memref<16x512xf32, #tpu.memory_space<vmem_shared>> -> memref<1x512xf32, #tpu.memory_space<vmem_shared>>
        %dma_start3A_302 = tpu.memref_squeeze %dma_start3A_301 : memref<1x512xf32, #tpu.memory_space<vmem_shared>> -> memref<512xf32, #tpu.memory_space<vmem_shared>>
        %dma_start3A_303 = arith.constant 0 : i32
        %dma_start3A_304 = arith.constant 0 : i32
        %dma_start3A_305 = tpu.memref_slice %arg6[%rem3A_62, %dma_start3A_303, %dma_start3A_304] : memref<4x32x512xf32, #tpu.memory_space<vmem>> -> memref<1x32x512xf32, #tpu.memory_space<vmem>>
        %dma_start3A_306 = tpu.memref_squeeze %dma_start3A_305 : memref<1x32x512xf32, #tpu.memory_space<vmem>> -> memref<32x512xf32, #tpu.memory_space<vmem>>
        %dma_start3A_307 = arith.constant 0 : i32
        %dma_start3A_308 = tpu.memref_slice %dma_start3A_306[%add3A_292, %dma_start3A_307] : memref<32x512xf32, #tpu.memory_space<vmem>> -> memref<1x512xf32, #tpu.memory_space<vmem>>
        %dma_start3A_309 = tpu.memref_squeeze %dma_start3A_308 : memref<1x512xf32, #tpu.memory_space<vmem>> -> memref<512xf32, #tpu.memory_space<vmem>>
        %dma_start3A_310 = arith.constant 0 : i32
        %dma_start3A_311 = tpu.memref_slice %arg7[%squeeze3A_288, %dma_start3A_310] : memref<16x512xf32, #tpu.memory_space<vmem_shared>> -> memref<1x512xf32, #tpu.memory_space<vmem_shared>>
        %dma_start3A_312 = tpu.memref_squeeze %dma_start3A_311 : memref<1x512xf32, #tpu.memory_space<vmem_shared>> -> memref<512xf32, #tpu.memory_space<vmem_shared>>
        tpu.enqueue_dma source(%dma_start3A_312 : memref<512xf32, #tpu.memory_space<vmem_shared>>) target(%dma_start3A_309 : memref<512xf32, #tpu.memory_space<vmem>>) target_semaphore(%arg8 : memref<!tpu.dma_semaphore, #tpu.memory_space<semaphore_mem>>)
        %slice3A_313 = vector.extract_strided_slice %get3A_106 {offsets = [8], sizes = [1], strides = [1]} : vector<16xi32> to vector<1xi32>
        %squeeze3A_314 = vector.extract %slice3A_313[0] : i32 from vector<1xi32>
        %mul3A_315 = arith.constant 16 : i32
        %mul3A_316 = arith.muli %scan3A_99, %mul3A_315 : i32
        %add3A_317 = arith.constant 8 : i32
        %add3A_318 = arith.addi %mul3A_316, %add3A_317 : i32
        %dma_start3A_319 = arith.constant 0 : i32
        %dma_start3A_320 = arith.constant 0 : i32
        %dma_start3A_321 = tpu.memref_slice %arg6[%rem3A_62, %dma_start3A_319, %dma_start3A_320] : memref<4x32x512xf32, #tpu.memory_space<vmem>> -> memref<1x32x512xf32, #tpu.memory_space<vmem>>
        %dma_start3A_322 = tpu.memref_squeeze %dma_start3A_321 : memref<1x32x512xf32, #tpu.memory_space<vmem>> -> memref<32x512xf32, #tpu.memory_space<vmem>>
        %dma_start3A_323 = arith.constant 0 : i32
        %dma_start3A_324 = tpu.memref_slice %dma_start3A_322[%add3A_318, %dma_start3A_323] : memref<32x512xf32, #tpu.memory_space<vmem>> -> memref<1x512xf32, #tpu.memory_space<vmem>>
        %dma_start3A_325 = tpu.memref_squeeze %dma_start3A_324 : memref<1x512xf32, #tpu.memory_space<vmem>> -> memref<512xf32, #tpu.memory_space<vmem>>
        %dma_start3A_326 = arith.constant 0 : i32
        %dma_start3A_327 = tpu.memref_slice %arg7[%squeeze3A_314, %dma_start3A_326] : memref<16x512xf32, #tpu.memory_space<vmem_shared>> -> memref<1x512xf32, #tpu.memory_space<vmem_shared>>
        %dma_start3A_328 = tpu.memref_squeeze %dma_start3A_327 : memref<1x512xf32, #tpu.memory_space<vmem_shared>> -> memref<512xf32, #tpu.memory_space<vmem_shared>>
        %dma_start3A_329 = arith.constant 0 : i32
        %dma_start3A_330 = arith.constant 0 : i32
        %dma_start3A_331 = tpu.memref_slice %arg6[%rem3A_62, %dma_start3A_329, %dma_start3A_330] : memref<4x32x512xf32, #tpu.memory_space<vmem>> -> memref<1x32x512xf32, #tpu.memory_space<vmem>>
        %dma_start3A_332 = tpu.memref_squeeze %dma_start3A_331 : memref<1x32x512xf32, #tpu.memory_space<vmem>> -> memref<32x512xf32, #tpu.memory_space<vmem>>
        %dma_start3A_333 = arith.constant 0 : i32
        %dma_start3A_334 = tpu.memref_slice %dma_start3A_332[%add3A_318, %dma_start3A_333] : memref<32x512xf32, #tpu.memory_space<vmem>> -> memref<1x512xf32, #tpu.memory_space<vmem>>
        %dma_start3A_335 = tpu.memref_squeeze %dma_start3A_334 : memref<1x512xf32, #tpu.memory_space<vmem>> -> memref<512xf32, #tpu.memory_space<vmem>>
        %dma_start3A_336 = arith.constant 0 : i32
        %dma_start3A_337 = tpu.memref_slice %arg7[%squeeze3A_314, %dma_start3A_336] : memref<16x512xf32, #tpu.memory_space<vmem_shared>> -> memref<1x512xf32, #tpu.memory_space<vmem_shared>>
        %dma_start3A_338 = tpu.memref_squeeze %dma_start3A_337 : memref<1x512xf32, #tpu.memory_space<vmem_shared>> -> memref<512xf32, #tpu.memory_space<vmem_shared>>
        tpu.enqueue_dma source(%dma_start3A_338 : memref<512xf32, #tpu.memory_space<vmem_shared>>) target(%dma_start3A_335 : memref<512xf32, #tpu.memory_space<vmem>>) target_semaphore(%arg8 : memref<!tpu.dma_semaphore, #tpu.memory_space<semaphore_mem>>)
        %slice3A_339 = vector.extract_strided_slice %get3A_106 {offsets = [9], sizes = [1], strides = [1]} : vector<16xi32> to vector<1xi32>
        %squeeze3A_340 = vector.extract %slice3A_339[0] : i32 from vector<1xi32>
        %mul3A_341 = arith.constant 16 : i32
        %mul3A_342 = arith.muli %scan3A_99, %mul3A_341 : i32
        %add3A_343 = arith.constant 9 : i32
        %add3A_344 = arith.addi %mul3A_342, %add3A_343 : i32
        %dma_start3A_345 = arith.constant 0 : i32
        %dma_start3A_346 = arith.constant 0 : i32
        %dma_start3A_347 = tpu.memref_slice %arg6[%rem3A_62, %dma_start3A_345, %dma_start3A_346] : memref<4x32x512xf32, #tpu.memory_space<vmem>> -> memref<1x32x512xf32, #tpu.memory_space<vmem>>
        %dma_start3A_348 = tpu.memref_squeeze %dma_start3A_347 : memref<1x32x512xf32, #tpu.memory_space<vmem>> -> memref<32x512xf32, #tpu.memory_space<vmem>>
        %dma_start3A_349 = arith.constant 0 : i32
        %dma_start3A_350 = tpu.memref_slice %dma_start3A_348[%add3A_344, %dma_start3A_349] : memref<32x512xf32, #tpu.memory_space<vmem>> -> memref<1x512xf32, #tpu.memory_space<vmem>>
        %dma_start3A_351 = tpu.memref_squeeze %dma_start3A_350 : memref<1x512xf32, #tpu.memory_space<vmem>> -> memref<512xf32, #tpu.memory_space<vmem>>
        %dma_start3A_352 = arith.constant 0 : i32
        %dma_start3A_353 = tpu.memref_slice %arg7[%squeeze3A_340, %dma_start3A_352] : memref<16x512xf32, #tpu.memory_space<vmem_shared>> -> memref<1x512xf32, #tpu.memory_space<vmem_shared>>
        %dma_start3A_354 = tpu.memref_squeeze %dma_start3A_353 : memref<1x512xf32, #tpu.memory_space<vmem_shared>> -> memref<512xf32, #tpu.memory_space<vmem_shared>>
        %dma_start3A_355 = arith.constant 0 : i32
        %dma_start3A_356 = arith.constant 0 : i32
        %dma_start3A_357 = tpu.memref_slice %arg6[%rem3A_62, %dma_start3A_355, %dma_start3A_356] : memref<4x32x512xf32, #tpu.memory_space<vmem>> -> memref<1x32x512xf32, #tpu.memory_space<vmem>>
        %dma_start3A_358 = tpu.memref_squeeze %dma_start3A_357 : memref<1x32x512xf32, #tpu.memory_space<vmem>> -> memref<32x512xf32, #tpu.memory_space<vmem>>
        %dma_start3A_359 = arith.constant 0 : i32
        %dma_start3A_360 = tpu.memref_slice %dma_start3A_358[%add3A_344, %dma_start3A_359] : memref<32x512xf32, #tpu.memory_space<vmem>> -> memref<1x512xf32, #tpu.memory_space<vmem>>
        %dma_start3A_361 = tpu.memref_squeeze %dma_start3A_360 : memref<1x512xf32, #tpu.memory_space<vmem>> -> memref<512xf32, #tpu.memory_space<vmem>>
        %dma_start3A_362 = arith.constant 0 : i32
        %dma_start3A_363 = tpu.memref_slice %arg7[%squeeze3A_340, %dma_start3A_362] : memref<16x512xf32, #tpu.memory_space<vmem_shared>> -> memref<1x512xf32, #tpu.memory_space<vmem_shared>>
        %dma_start3A_364 = tpu.memref_squeeze %dma_start3A_363 : memref<1x512xf32, #tpu.memory_space<vmem_shared>> -> memref<512xf32, #tpu.memory_space<vmem_shared>>
        tpu.enqueue_dma source(%dma_start3A_364 : memref<512xf32, #tpu.memory_space<vmem_shared>>) target(%dma_start3A_361 : memref<512xf32, #tpu.memory_space<vmem>>) target_semaphore(%arg8 : memref<!tpu.dma_semaphore, #tpu.memory_space<semaphore_mem>>)
        %slice3A_365 = vector.extract_strided_slice %get3A_106 {offsets = [10], sizes = [1], strides = [1]} : vector<16xi32> to vector<1xi32>
        %squeeze3A_366 = vector.extract %slice3A_365[0] : i32 from vector<1xi32>
        %mul3A_367 = arith.constant 16 : i32
        %mul3A_368 = arith.muli %scan3A_99, %mul3A_367 : i32
        %add3A_369 = arith.constant 10 : i32
        %add3A_370 = arith.addi %mul3A_368, %add3A_369 : i32
        %dma_start3A_371 = arith.constant 0 : i32
        %dma_start3A_372 = arith.constant 0 : i32
        %dma_start3A_373 = tpu.memref_slice %arg6[%rem3A_62, %dma_start3A_371, %dma_start3A_372] : memref<4x32x512xf32, #tpu.memory_space<vmem>> -> memref<1x32x512xf32, #tpu.memory_space<vmem>>
        %dma_start3A_374 = tpu.memref_squeeze %dma_start3A_373 : memref<1x32x512xf32, #tpu.memory_space<vmem>> -> memref<32x512xf32, #tpu.memory_space<vmem>>
        %dma_start3A_375 = arith.constant 0 : i32
        %dma_start3A_376 = tpu.memref_slice %dma_start3A_374[%add3A_370, %dma_start3A_375] : memref<32x512xf32, #tpu.memory_space<vmem>> -> memref<1x512xf32, #tpu.memory_space<vmem>>
        %dma_start3A_377 = tpu.memref_squeeze %dma_start3A_376 : memref<1x512xf32, #tpu.memory_space<vmem>> -> memref<512xf32, #tpu.memory_space<vmem>>
        %dma_start3A_378 = arith.constant 0 : i32
        %dma_start3A_379 = tpu.memref_slice %arg7[%squeeze3A_366, %dma_start3A_378] : memref<16x512xf32, #tpu.memory_space<vmem_shared>> -> memref<1x512xf32, #tpu.memory_space<vmem_shared>>
        %dma_start3A_380 = tpu.memref_squeeze %dma_start3A_379 : memref<1x512xf32, #tpu.memory_space<vmem_shared>> -> memref<512xf32, #tpu.memory_space<vmem_shared>>
        %dma_start3A_381 = arith.constant 0 : i32
        %dma_start3A_382 = arith.constant 0 : i32
        %dma_start3A_383 = tpu.memref_slice %arg6[%rem3A_62, %dma_start3A_381, %dma_start3A_382] : memref<4x32x512xf32, #tpu.memory_space<vmem>> -> memref<1x32x512xf32, #tpu.memory_space<vmem>>
        %dma_start3A_384 = tpu.memref_squeeze %dma_start3A_383 : memref<1x32x512xf32, #tpu.memory_space<vmem>> -> memref<32x512xf32, #tpu.memory_space<vmem>>
        %dma_start3A_385 = arith.constant 0 : i32
        %dma_start3A_386 = tpu.memref_slice %dma_start3A_384[%add3A_370, %dma_start3A_385] : memref<32x512xf32, #tpu.memory_space<vmem>> -> memref<1x512xf32, #tpu.memory_space<vmem>>
        %dma_start3A_387 = tpu.memref_squeeze %dma_start3A_386 : memref<1x512xf32, #tpu.memory_space<vmem>> -> memref<512xf32, #tpu.memory_space<vmem>>
        %dma_start3A_388 = arith.constant 0 : i32
        %dma_start3A_389 = tpu.memref_slice %arg7[%squeeze3A_366, %dma_start3A_388] : memref<16x512xf32, #tpu.memory_space<vmem_shared>> -> memref<1x512xf32, #tpu.memory_space<vmem_shared>>
        %dma_start3A_390 = tpu.memref_squeeze %dma_start3A_389 : memref<1x512xf32, #tpu.memory_space<vmem_shared>> -> memref<512xf32, #tpu.memory_space<vmem_shared>>
        tpu.enqueue_dma source(%dma_start3A_390 : memref<512xf32, #tpu.memory_space<vmem_shared>>) target(%dma_start3A_387 : memref<512xf32, #tpu.memory_space<vmem>>) target_semaphore(%arg8 : memref<!tpu.dma_semaphore, #tpu.memory_space<semaphore_mem>>)
        %slice3A_391 = vector.extract_strided_slice %get3A_106 {offsets = [11], sizes = [1], strides = [1]} : vector<16xi32> to vector<1xi32>
        %squeeze3A_392 = vector.extract %slice3A_391[0] : i32 from vector<1xi32>
        %mul3A_393 = arith.constant 16 : i32
        %mul3A_394 = arith.muli %scan3A_99, %mul3A_393 : i32
        %add3A_395 = arith.constant 11 : i32
        %add3A_396 = arith.addi %mul3A_394, %add3A_395 : i32
        %dma_start3A_397 = arith.constant 0 : i32
        %dma_start3A_398 = arith.constant 0 : i32
        %dma_start3A_399 = tpu.memref_slice %arg6[%rem3A_62, %dma_start3A_397, %dma_start3A_398] : memref<4x32x512xf32, #tpu.memory_space<vmem>> -> memref<1x32x512xf32, #tpu.memory_space<vmem>>
        %dma_start3A_400 = tpu.memref_squeeze %dma_start3A_399 : memref<1x32x512xf32, #tpu.memory_space<vmem>> -> memref<32x512xf32, #tpu.memory_space<vmem>>
        %dma_start3A_401 = arith.constant 0 : i32
        %dma_start3A_402 = tpu.memref_slice %dma_start3A_400[%add3A_396, %dma_start3A_401] : memref<32x512xf32, #tpu.memory_space<vmem>> -> memref<1x512xf32, #tpu.memory_space<vmem>>
        %dma_start3A_403 = tpu.memref_squeeze %dma_start3A_402 : memref<1x512xf32, #tpu.memory_space<vmem>> -> memref<512xf32, #tpu.memory_space<vmem>>
        %dma_start3A_404 = arith.constant 0 : i32
        %dma_start3A_405 = tpu.memref_slice %arg7[%squeeze3A_392, %dma_start3A_404] : memref<16x512xf32, #tpu.memory_space<vmem_shared>> -> memref<1x512xf32, #tpu.memory_space<vmem_shared>>
        %dma_start3A_406 = tpu.memref_squeeze %dma_start3A_405 : memref<1x512xf32, #tpu.memory_space<vmem_shared>> -> memref<512xf32, #tpu.memory_space<vmem_shared>>
        %dma_start3A_407 = arith.constant 0 : i32
        %dma_start3A_408 = arith.constant 0 : i32
        %dma_start3A_409 = tpu.memref_slice %arg6[%rem3A_62, %dma_start3A_407, %dma_start3A_408] : memref<4x32x512xf32, #tpu.memory_space<vmem>> -> memref<1x32x512xf32, #tpu.memory_space<vmem>>
        %dma_start3A_410 = tpu.memref_squeeze %dma_start3A_409 : memref<1x32x512xf32, #tpu.memory_space<vmem>> -> memref<32x512xf32, #tpu.memory_space<vmem>>
        %dma_start3A_411 = arith.constant 0 : i32
        %dma_start3A_412 = tpu.memref_slice %dma_start3A_410[%add3A_396, %dma_start3A_411] : memref<32x512xf32, #tpu.memory_space<vmem>> -> memref<1x512xf32, #tpu.memory_space<vmem>>
        %dma_start3A_413 = tpu.memref_squeeze %dma_start3A_412 : memref<1x512xf32, #tpu.memory_space<vmem>> -> memref<512xf32, #tpu.memory_space<vmem>>
        %dma_start3A_414 = arith.constant 0 : i32
        %dma_start3A_415 = tpu.memref_slice %arg7[%squeeze3A_392, %dma_start3A_414] : memref<16x512xf32, #tpu.memory_space<vmem_shared>> -> memref<1x512xf32, #tpu.memory_space<vmem_shared>>
        %dma_start3A_416 = tpu.memref_squeeze %dma_start3A_415 : memref<1x512xf32, #tpu.memory_space<vmem_shared>> -> memref<512xf32, #tpu.memory_space<vmem_shared>>
        tpu.enqueue_dma source(%dma_start3A_416 : memref<512xf32, #tpu.memory_space<vmem_shared>>) target(%dma_start3A_413 : memref<512xf32, #tpu.memory_space<vmem>>) target_semaphore(%arg8 : memref<!tpu.dma_semaphore, #tpu.memory_space<semaphore_mem>>)
        %slice3A_417 = vector.extract_strided_slice %get3A_106 {offsets = [12], sizes = [1], strides = [1]} : vector<16xi32> to vector<1xi32>
        %squeeze3A_418 = vector.extract %slice3A_417[0] : i32 from vector<1xi32>
        %mul3A_419 = arith.constant 16 : i32
        %mul3A_420 = arith.muli %scan3A_99, %mul3A_419 : i32
        %add3A_421 = arith.constant 12 : i32
        %add3A_422 = arith.addi %mul3A_420, %add3A_421 : i32
        %dma_start3A_423 = arith.constant 0 : i32
        %dma_start3A_424 = arith.constant 0 : i32
        %dma_start3A_425 = tpu.memref_slice %arg6[%rem3A_62, %dma_start3A_423, %dma_start3A_424] : memref<4x32x512xf32, #tpu.memory_space<vmem>> -> memref<1x32x512xf32, #tpu.memory_space<vmem>>
        %dma_start3A_426 = tpu.memref_squeeze %dma_start3A_425 : memref<1x32x512xf32, #tpu.memory_space<vmem>> -> memref<32x512xf32, #tpu.memory_space<vmem>>
        %dma_start3A_427 = arith.constant 0 : i32
        %dma_start3A_428 = tpu.memref_slice %dma_start3A_426[%add3A_422, %dma_start3A_427] : memref<32x512xf32, #tpu.memory_space<vmem>> -> memref<1x512xf32, #tpu.memory_space<vmem>>
        %dma_start3A_429 = tpu.memref_squeeze %dma_start3A_428 : memref<1x512xf32, #tpu.memory_space<vmem>> -> memref<512xf32, #tpu.memory_space<vmem>>
        %dma_start3A_430 = arith.constant 0 : i32
        %dma_start3A_431 = tpu.memref_slice %arg7[%squeeze3A_418, %dma_start3A_430] : memref<16x512xf32, #tpu.memory_space<vmem_shared>> -> memref<1x512xf32, #tpu.memory_space<vmem_shared>>
        %dma_start3A_432 = tpu.memref_squeeze %dma_start3A_431 : memref<1x512xf32, #tpu.memory_space<vmem_shared>> -> memref<512xf32, #tpu.memory_space<vmem_shared>>
        %dma_start3A_433 = arith.constant 0 : i32
        %dma_start3A_434 = arith.constant 0 : i32
        %dma_start3A_435 = tpu.memref_slice %arg6[%rem3A_62, %dma_start3A_433, %dma_start3A_434] : memref<4x32x512xf32, #tpu.memory_space<vmem>> -> memref<1x32x512xf32, #tpu.memory_space<vmem>>
        %dma_start3A_436 = tpu.memref_squeeze %dma_start3A_435 : memref<1x32x512xf32, #tpu.memory_space<vmem>> -> memref<32x512xf32, #tpu.memory_space<vmem>>
        %dma_start3A_437 = arith.constant 0 : i32
        %dma_start3A_438 = tpu.memref_slice %dma_start3A_436[%add3A_422, %dma_start3A_437] : memref<32x512xf32, #tpu.memory_space<vmem>> -> memref<1x512xf32, #tpu.memory_space<vmem>>
        %dma_start3A_439 = tpu.memref_squeeze %dma_start3A_438 : memref<1x512xf32, #tpu.memory_space<vmem>> -> memref<512xf32, #tpu.memory_space<vmem>>
        %dma_start3A_440 = arith.constant 0 : i32
        %dma_start3A_441 = tpu.memref_slice %arg7[%squeeze3A_418, %dma_start3A_440] : memref<16x512xf32, #tpu.memory_space<vmem_shared>> -> memref<1x512xf32, #tpu.memory_space<vmem_shared>>
        %dma_start3A_442 = tpu.memref_squeeze %dma_start3A_441 : memref<1x512xf32, #tpu.memory_space<vmem_shared>> -> memref<512xf32, #tpu.memory_space<vmem_shared>>
        tpu.enqueue_dma source(%dma_start3A_442 : memref<512xf32, #tpu.memory_space<vmem_shared>>) target(%dma_start3A_439 : memref<512xf32, #tpu.memory_space<vmem>>) target_semaphore(%arg8 : memref<!tpu.dma_semaphore, #tpu.memory_space<semaphore_mem>>)
        %slice3A_443 = vector.extract_strided_slice %get3A_106 {offsets = [13], sizes = [1], strides = [1]} : vector<16xi32> to vector<1xi32>
        %squeeze3A_444 = vector.extract %slice3A_443[0] : i32 from vector<1xi32>
        %mul3A_445 = arith.constant 16 : i32
        %mul3A_446 = arith.muli %scan3A_99, %mul3A_445 : i32
        %add3A_447 = arith.constant 13 : i32
        %add3A_448 = arith.addi %mul3A_446, %add3A_447 : i32
        %dma_start3A_449 = arith.constant 0 : i32
        %dma_start3A_450 = arith.constant 0 : i32
        %dma_start3A_451 = tpu.memref_slice %arg6[%rem3A_62, %dma_start3A_449, %dma_start3A_450] : memref<4x32x512xf32, #tpu.memory_space<vmem>> -> memref<1x32x512xf32, #tpu.memory_space<vmem>>
        %dma_start3A_452 = tpu.memref_squeeze %dma_start3A_451 : memref<1x32x512xf32, #tpu.memory_space<vmem>> -> memref<32x512xf32, #tpu.memory_space<vmem>>
        %dma_start3A_453 = arith.constant 0 : i32
        %dma_start3A_454 = tpu.memref_slice %dma_start3A_452[%add3A_448, %dma_start3A_453] : memref<32x512xf32, #tpu.memory_space<vmem>> -> memref<1x512xf32, #tpu.memory_space<vmem>>
        %dma_start3A_455 = tpu.memref_squeeze %dma_start3A_454 : memref<1x512xf32, #tpu.memory_space<vmem>> -> memref<512xf32, #tpu.memory_space<vmem>>
        %dma_start3A_456 = arith.constant 0 : i32
        %dma_start3A_457 = tpu.memref_slice %arg7[%squeeze3A_444, %dma_start3A_456] : memref<16x512xf32, #tpu.memory_space<vmem_shared>> -> memref<1x512xf32, #tpu.memory_space<vmem_shared>>
        %dma_start3A_458 = tpu.memref_squeeze %dma_start3A_457 : memref<1x512xf32, #tpu.memory_space<vmem_shared>> -> memref<512xf32, #tpu.memory_space<vmem_shared>>
        %dma_start3A_459 = arith.constant 0 : i32
        %dma_start3A_460 = arith.constant 0 : i32
        %dma_start3A_461 = tpu.memref_slice %arg6[%rem3A_62, %dma_start3A_459, %dma_start3A_460] : memref<4x32x512xf32, #tpu.memory_space<vmem>> -> memref<1x32x512xf32, #tpu.memory_space<vmem>>
        %dma_start3A_462 = tpu.memref_squeeze %dma_start3A_461 : memref<1x32x512xf32, #tpu.memory_space<vmem>> -> memref<32x512xf32, #tpu.memory_space<vmem>>
        %dma_start3A_463 = arith.constant 0 : i32
        %dma_start3A_464 = tpu.memref_slice %dma_start3A_462[%add3A_448, %dma_start3A_463] : memref<32x512xf32, #tpu.memory_space<vmem>> -> memref<1x512xf32, #tpu.memory_space<vmem>>
        %dma_start3A_465 = tpu.memref_squeeze %dma_start3A_464 : memref<1x512xf32, #tpu.memory_space<vmem>> -> memref<512xf32, #tpu.memory_space<vmem>>
        %dma_start3A_466 = arith.constant 0 : i32
        %dma_start3A_467 = tpu.memref_slice %arg7[%squeeze3A_444, %dma_start3A_466] : memref<16x512xf32, #tpu.memory_space<vmem_shared>> -> memref<1x512xf32, #tpu.memory_space<vmem_shared>>
        %dma_start3A_468 = tpu.memref_squeeze %dma_start3A_467 : memref<1x512xf32, #tpu.memory_space<vmem_shared>> -> memref<512xf32, #tpu.memory_space<vmem_shared>>
        tpu.enqueue_dma source(%dma_start3A_468 : memref<512xf32, #tpu.memory_space<vmem_shared>>) target(%dma_start3A_465 : memref<512xf32, #tpu.memory_space<vmem>>) target_semaphore(%arg8 : memref<!tpu.dma_semaphore, #tpu.memory_space<semaphore_mem>>)
        %slice3A_469 = vector.extract_strided_slice %get3A_106 {offsets = [14], sizes = [1], strides = [1]} : vector<16xi32> to vector<1xi32>
        %squeeze3A_470 = vector.extract %slice3A_469[0] : i32 from vector<1xi32>
        %mul3A_471 = arith.constant 16 : i32
        %mul3A_472 = arith.muli %scan3A_99, %mul3A_471 : i32
        %add3A_473 = arith.constant 14 : i32
        %add3A_474 = arith.addi %mul3A_472, %add3A_473 : i32
        %dma_start3A_475 = arith.constant 0 : i32
        %dma_start3A_476 = arith.constant 0 : i32
        %dma_start3A_477 = tpu.memref_slice %arg6[%rem3A_62, %dma_start3A_475, %dma_start3A_476] : memref<4x32x512xf32, #tpu.memory_space<vmem>> -> memref<1x32x512xf32, #tpu.memory_space<vmem>>
        %dma_start3A_478 = tpu.memref_squeeze %dma_start3A_477 : memref<1x32x512xf32, #tpu.memory_space<vmem>> -> memref<32x512xf32, #tpu.memory_space<vmem>>
        %dma_start3A_479 = arith.constant 0 : i32
        %dma_start3A_480 = tpu.memref_slice %dma_start3A_478[%add3A_474, %dma_start3A_479] : memref<32x512xf32, #tpu.memory_space<vmem>> -> memref<1x512xf32, #tpu.memory_space<vmem>>
        %dma_start3A_481 = tpu.memref_squeeze %dma_start3A_480 : memref<1x512xf32, #tpu.memory_space<vmem>> -> memref<512xf32, #tpu.memory_space<vmem>>
        %dma_start3A_482 = arith.constant 0 : i32
        %dma_start3A_483 = tpu.memref_slice %arg7[%squeeze3A_470, %dma_start3A_482] : memref<16x512xf32, #tpu.memory_space<vmem_shared>> -> memref<1x512xf32, #tpu.memory_space<vmem_shared>>
        %dma_start3A_484 = tpu.memref_squeeze %dma_start3A_483 : memref<1x512xf32, #tpu.memory_space<vmem_shared>> -> memref<512xf32, #tpu.memory_space<vmem_shared>>
        %dma_start3A_485 = arith.constant 0 : i32
        %dma_start3A_486 = arith.constant 0 : i32
        %dma_start3A_487 = tpu.memref_slice %arg6[%rem3A_62, %dma_start3A_485, %dma_start3A_486] : memref<4x32x512xf32, #tpu.memory_space<vmem>> -> memref<1x32x512xf32, #tpu.memory_space<vmem>>
        %dma_start3A_488 = tpu.memref_squeeze %dma_start3A_487 : memref<1x32x512xf32, #tpu.memory_space<vmem>> -> memref<32x512xf32, #tpu.memory_space<vmem>>
        %dma_start3A_489 = arith.constant 0 : i32
        %dma_start3A_490 = tpu.memref_slice %dma_start3A_488[%add3A_474, %dma_start3A_489] : memref<32x512xf32, #tpu.memory_space<vmem>> -> memref<1x512xf32, #tpu.memory_space<vmem>>
        %dma_start3A_491 = tpu.memref_squeeze %dma_start3A_490 : memref<1x512xf32, #tpu.memory_space<vmem>> -> memref<512xf32, #tpu.memory_space<vmem>>
        %dma_start3A_492 = arith.constant 0 : i32
        %dma_start3A_493 = tpu.memref_slice %arg7[%squeeze3A_470, %dma_start3A_492] : memref<16x512xf32, #tpu.memory_space<vmem_shared>> -> memref<1x512xf32, #tpu.memory_space<vmem_shared>>
        %dma_start3A_494 = tpu.memref_squeeze %dma_start3A_493 : memref<1x512xf32, #tpu.memory_space<vmem_shared>> -> memref<512xf32, #tpu.memory_space<vmem_shared>>
        tpu.enqueue_dma source(%dma_start3A_494 : memref<512xf32, #tpu.memory_space<vmem_shared>>) target(%dma_start3A_491 : memref<512xf32, #tpu.memory_space<vmem>>) target_semaphore(%arg8 : memref<!tpu.dma_semaphore, #tpu.memory_space<semaphore_mem>>)
        %slice3A_495 = vector.extract_strided_slice %get3A_106 {offsets = [15], sizes = [1], strides = [1]} : vector<16xi32> to vector<1xi32>
        %squeeze3A_496 = vector.extract %slice3A_495[0] : i32 from vector<1xi32>
        %mul3A_497 = arith.constant 16 : i32
        %mul3A_498 = arith.muli %scan3A_99, %mul3A_497 : i32
        %add3A_499 = arith.constant 15 : i32
        %add3A_500 = arith.addi %mul3A_498, %add3A_499 : i32
        %dma_start3A_501 = arith.constant 0 : i32
        %dma_start3A_502 = arith.constant 0 : i32
        %dma_start3A_503 = tpu.memref_slice %arg6[%rem3A_62, %dma_start3A_501, %dma_start3A_502] : memref<4x32x512xf32, #tpu.memory_space<vmem>> -> memref<1x32x512xf32, #tpu.memory_space<vmem>>
        %dma_start3A_504 = tpu.memref_squeeze %dma_start3A_503 : memref<1x32x512xf32, #tpu.memory_space<vmem>> -> memref<32x512xf32, #tpu.memory_space<vmem>>
        %dma_start3A_505 = arith.constant 0 : i32
        %dma_start3A_506 = tpu.memref_slice %dma_start3A_504[%add3A_500, %dma_start3A_505] : memref<32x512xf32, #tpu.memory_space<vmem>> -> memref<1x512xf32, #tpu.memory_space<vmem>>
        %dma_start3A_507 = tpu.memref_squeeze %dma_start3A_506 : memref<1x512xf32, #tpu.memory_space<vmem>> -> memref<512xf32, #tpu.memory_space<vmem>>
        %dma_start3A_508 = arith.constant 0 : i32
        %dma_start3A_509 = tpu.memref_slice %arg7[%squeeze3A_496, %dma_start3A_508] : memref<16x512xf32, #tpu.memory_space<vmem_shared>> -> memref<1x512xf32, #tpu.memory_space<vmem_shared>>
        %dma_start3A_510 = tpu.memref_squeeze %dma_start3A_509 : memref<1x512xf32, #tpu.memory_space<vmem_shared>> -> memref<512xf32, #tpu.memory_space<vmem_shared>>
        %dma_start3A_511 = arith.constant 0 : i32
        %dma_start3A_512 = arith.constant 0 : i32
        %dma_start3A_513 = tpu.memref_slice %arg6[%rem3A_62, %dma_start3A_511, %dma_start3A_512] : memref<4x32x512xf32, #tpu.memory_space<vmem>> -> memref<1x32x512xf32, #tpu.memory_space<vmem>>
        %dma_start3A_514 = tpu.memref_squeeze %dma_start3A_513 : memref<1x32x512xf32, #tpu.memory_space<vmem>> -> memref<32x512xf32, #tpu.memory_space<vmem>>
        %dma_start3A_515 = arith.constant 0 : i32
        %dma_start3A_516 = tpu.memref_slice %dma_start3A_514[%add3A_500, %dma_start3A_515] : memref<32x512xf32, #tpu.memory_space<vmem>> -> memref<1x512xf32, #tpu.memory_space<vmem>>
        %dma_start3A_517 = tpu.memref_squeeze %dma_start3A_516 : memref<1x512xf32, #tpu.memory_space<vmem>> -> memref<512xf32, #tpu.memory_space<vmem>>
        %dma_start3A_518 = arith.constant 0 : i32
        %dma_start3A_519 = tpu.memref_slice %arg7[%squeeze3A_496, %dma_start3A_518] : memref<16x512xf32, #tpu.memory_space<vmem_shared>> -> memref<1x512xf32, #tpu.memory_space<vmem_shared>>
        %dma_start3A_520 = tpu.memref_squeeze %dma_start3A_519 : memref<1x512xf32, #tpu.memory_space<vmem_shared>> -> memref<512xf32, #tpu.memory_space<vmem_shared>>
        tpu.enqueue_dma source(%dma_start3A_520 : memref<512xf32, #tpu.memory_space<vmem_shared>>) target(%dma_start3A_517 : memref<512xf32, #tpu.memory_space<vmem>>) target_semaphore(%arg8 : memref<!tpu.dma_semaphore, #tpu.memory_space<semaphore_mem>>)
      }
      %scan3A_72 = arith.constant 2 : i32
      %dma_wait3A_73 = arith.constant 0 : i32
      %dma_wait3A_74 = arith.constant 0 : i32
      %dma_wait3A_75 = tpu.memref_slice %arg6[%rem3A_62, %dma_wait3A_73, %dma_wait3A_74] : memref<4x32x512xf32, #tpu.memory_space<vmem>> -> memref<1x32x512xf32, #tpu.memory_space<vmem>>
      %dma_wait3A_76 = tpu.memref_squeeze %dma_wait3A_75 : memref<1x32x512xf32, #tpu.memory_space<vmem>> -> memref<32x512xf32, #tpu.memory_space<vmem>>
      %dma_wait3A_77 = arith.constant 0 : i32
      %dma_wait3A_78 = tpu.memref_slice %arg4[%mul3A_2, %dma_wait3A_77] : memref<16384x512xf32, #tpu.memory_space<hbm>> -> memref<32x512xf32, #tpu.memory_space<hbm>>
      %dma_wait3A_79 = arith.constant 0 : i32
      %dma_wait3A_80 = arith.constant 0 : i32
      %dma_wait3A_81 = tpu.memref_slice %arg6[%rem3A_62, %dma_wait3A_79, %dma_wait3A_80] : memref<4x32x512xf32, #tpu.memory_space<vmem>> -> memref<1x32x512xf32, #tpu.memory_space<vmem>>
      %dma_wait3A_82 = tpu.memref_squeeze %dma_wait3A_81 : memref<1x32x512xf32, #tpu.memory_space<vmem>> -> memref<32x512xf32, #tpu.memory_space<vmem>>
      %dma_wait3A_83 = arith.constant 0 : i32
      %dma_wait3A_84 = tpu.memref_slice %arg4[%mul3A_2, %dma_wait3A_83] : memref<16384x512xf32, #tpu.memory_space<hbm>> -> memref<32x512xf32, #tpu.memory_space<hbm>>
      tpu.wait_dma2 semaphore(%arg8 : memref<!tpu.dma_semaphore, #tpu.memory_space<semaphore_mem>>) src(%dma_wait3A_84 : memref<32x512xf32, #tpu.memory_space<hbm>>) dst(%dma_wait3A_82 : memref<32x512xf32, #tpu.memory_space<vmem>>)
      %mul3A_85 = arith.constant 32 : i32
      %mul3A_86 = arith.muli %scan3A_61, %mul3A_85 : i32
      %add3A_87 = arith.addi %mul3A_2, %mul3A_86 : i32
      %dma_start3A = arith.constant 0 : i32
      %dma_start3A_88 = arith.constant 0 : i32
      %dma_start3A_89 = tpu.memref_slice %arg6[%rem3A_62, %dma_start3A, %dma_start3A_88] : memref<4x32x512xf32, #tpu.memory_space<vmem>> -> memref<1x32x512xf32, #tpu.memory_space<vmem>>
      %dma_start3A_90 = tpu.memref_squeeze %dma_start3A_89 : memref<1x32x512xf32, #tpu.memory_space<vmem>> -> memref<32x512xf32, #tpu.memory_space<vmem>>
      %dma_start3A_91 = arith.constant 0 : i32
      %dma_start3A_92 = tpu.memref_slice %arg4[%add3A_87, %dma_start3A_91] : memref<16384x512xf32, #tpu.memory_space<hbm>> -> memref<32x512xf32, #tpu.memory_space<hbm>>
      %dma_start3A_93 = arith.constant 0 : i32
      %dma_start3A_94 = tpu.memref_slice %arg4[%add3A_87, %dma_start3A_93] : memref<16384x512xf32, #tpu.memory_space<hbm>> -> memref<32x512xf32, #tpu.memory_space<hbm>>
      %dma_start3A_95 = arith.constant 0 : i32
      %dma_start3A_96 = arith.constant 0 : i32
      %dma_start3A_97 = tpu.memref_slice %arg6[%rem3A_62, %dma_start3A_95, %dma_start3A_96] : memref<4x32x512xf32, #tpu.memory_space<vmem>> -> memref<1x32x512xf32, #tpu.memory_space<vmem>>
      %dma_start3A_98 = tpu.memref_squeeze %dma_start3A_97 : memref<1x32x512xf32, #tpu.memory_space<vmem>> -> memref<32x512xf32, #tpu.memory_space<vmem>>
      tpu.enqueue_dma source(%dma_start3A_98 : memref<32x512xf32, #tpu.memory_space<vmem>>) target(%dma_start3A_94 : memref<32x512xf32, #tpu.memory_space<hbm>>) target_semaphore(%arg9 : memref<!tpu.dma_semaphore, #tpu.memory_space<semaphore_mem>>)
    }
    %scan3A_9 = arith.constant 16 : i32
    %dma_wait3A = arith.constant 0 : i32
    %dma_wait3A_10 = arith.constant 0 : i32
    %dma_wait3A_11 = arith.constant 0 : i32
    %dma_wait3A_12 = tpu.memref_slice %arg6[%dma_wait3A, %dma_wait3A_10, %dma_wait3A_11] : memref<4x32x512xf32, #tpu.memory_space<vmem>> -> memref<1x32x512xf32, #tpu.memory_space<vmem>>
    %dma_wait3A_13 = tpu.memref_squeeze %dma_wait3A_12 : memref<1x32x512xf32, #tpu.memory_space<vmem>> -> memref<32x512xf32, #tpu.memory_space<vmem>>
    %dma_wait3A_14 = arith.constant 0 : i32
    %dma_wait3A_15 = tpu.memref_slice %arg4[%mul3A_2, %dma_wait3A_14] : memref<16384x512xf32, #tpu.memory_space<hbm>> -> memref<32x512xf32, #tpu.memory_space<hbm>>
    %dma_wait3A_16 = arith.constant 0 : i32
    %dma_wait3A_17 = arith.constant 0 : i32
    %dma_wait3A_18 = tpu.memref_slice %arg6[%dma_wait3A, %dma_wait3A_16, %dma_wait3A_17] : memref<4x32x512xf32, #tpu.memory_space<vmem>> -> memref<1x32x512xf32, #tpu.memory_space<vmem>>
    %dma_wait3A_19 = tpu.memref_squeeze %dma_wait3A_18 : memref<1x32x512xf32, #tpu.memory_space<vmem>> -> memref<32x512xf32, #tpu.memory_space<vmem>>
    %dma_wait3A_20 = arith.constant 0 : i32
    %dma_wait3A_21 = tpu.memref_slice %arg4[%mul3A_2, %dma_wait3A_20] : memref<16384x512xf32, #tpu.memory_space<hbm>> -> memref<32x512xf32, #tpu.memory_space<hbm>>
    tpu.wait_dma2 semaphore(%arg9 : memref<!tpu.dma_semaphore, #tpu.memory_space<semaphore_mem>>) src(%dma_wait3A_21 : memref<32x512xf32, #tpu.memory_space<hbm>>) dst(%dma_wait3A_19 : memref<32x512xf32, #tpu.memory_space<vmem>>)
    %dma_wait3A_22 = arith.constant 1 : i32
    %dma_wait3A_23 = arith.constant 0 : i32
    %dma_wait3A_24 = arith.constant 0 : i32
    %dma_wait3A_25 = tpu.memref_slice %arg6[%dma_wait3A_22, %dma_wait3A_23, %dma_wait3A_24] : memref<4x32x512xf32, #tpu.memory_space<vmem>> -> memref<1x32x512xf32, #tpu.memory_space<vmem>>
    %dma_wait3A_26 = tpu.memref_squeeze %dma_wait3A_25 : memref<1x32x512xf32, #tpu.memory_space<vmem>> -> memref<32x512xf32, #tpu.memory_space<vmem>>
    %dma_wait3A_27 = arith.constant 0 : i32
    %dma_wait3A_28 = tpu.memref_slice %arg4[%mul3A_2, %dma_wait3A_27] : memref<16384x512xf32, #tpu.memory_space<hbm>> -> memref<32x512xf32, #tpu.memory_space<hbm>>
    %dma_wait3A_29 = arith.constant 0 : i32
    %dma_wait3A_30 = arith.constant 0 : i32
    %dma_wait3A_31 = tpu.memref_slice %arg6[%dma_wait3A_22, %dma_wait3A_29, %dma_wait3A_30] : memref<4x32x512xf32, #tpu.memory_space<vmem>> -> memref<1x32x512xf32, #tpu.memory_space<vmem>>
    %dma_wait3A_32 = tpu.memref_squeeze %dma_wait3A_31 : memref<1x32x512xf32, #tpu.memory_space<vmem>> -> memref<32x512xf32, #tpu.memory_space<vmem>>
    %dma_wait3A_33 = arith.constant 0 : i32
    %dma_wait3A_34 = tpu.memref_slice %arg4[%mul3A_2, %dma_wait3A_33] : memref<16384x512xf32, #tpu.memory_space<hbm>> -> memref<32x512xf32, #tpu.memory_space<hbm>>
    tpu.wait_dma2 semaphore(%arg9 : memref<!tpu.dma_semaphore, #tpu.memory_space<semaphore_mem>>) src(%dma_wait3A_34 : memref<32x512xf32, #tpu.memory_space<hbm>>) dst(%dma_wait3A_32 : memref<32x512xf32, #tpu.memory_space<vmem>>)
    %dma_wait3A_35 = arith.constant 2 : i32
    %dma_wait3A_36 = arith.constant 0 : i32
    %dma_wait3A_37 = arith.constant 0 : i32
    %dma_wait3A_38 = tpu.memref_slice %arg6[%dma_wait3A_35, %dma_wait3A_36, %dma_wait3A_37] : memref<4x32x512xf32, #tpu.memory_space<vmem>> -> memref<1x32x512xf32, #tpu.memory_space<vmem>>
    %dma_wait3A_39 = tpu.memref_squeeze %dma_wait3A_38 : memref<1x32x512xf32, #tpu.memory_space<vmem>> -> memref<32x512xf32, #tpu.memory_space<vmem>>
    %dma_wait3A_40 = arith.constant 0 : i32
    %dma_wait3A_41 = tpu.memref_slice %arg4[%mul3A_2, %dma_wait3A_40] : memref<16384x512xf32, #tpu.memory_space<hbm>> -> memref<32x512xf32, #tpu.memory_space<hbm>>
    %dma_wait3A_42 = arith.constant 0 : i32
    %dma_wait3A_43 = arith.constant 0 : i32
    %dma_wait3A_44 = tpu.memref_slice %arg6[%dma_wait3A_35, %dma_wait3A_42, %dma_wait3A_43] : memref<4x32x512xf32, #tpu.memory_space<vmem>> -> memref<1x32x512xf32, #tpu.memory_space<vmem>>
    %dma_wait3A_45 = tpu.memref_squeeze %dma_wait3A_44 : memref<1x32x512xf32, #tpu.memory_space<vmem>> -> memref<32x512xf32, #tpu.memory_space<vmem>>
    %dma_wait3A_46 = arith.constant 0 : i32
    %dma_wait3A_47 = tpu.memref_slice %arg4[%mul3A_2, %dma_wait3A_46] : memref<16384x512xf32, #tpu.memory_space<hbm>> -> memref<32x512xf32, #tpu.memory_space<hbm>>
    tpu.wait_dma2 semaphore(%arg9 : memref<!tpu.dma_semaphore, #tpu.memory_space<semaphore_mem>>) src(%dma_wait3A_47 : memref<32x512xf32, #tpu.memory_space<hbm>>) dst(%dma_wait3A_45 : memref<32x512xf32, #tpu.memory_space<vmem>>)
    %dma_wait3A_48 = arith.constant 3 : i32
    %dma_wait3A_49 = arith.constant 0 : i32
    %dma_wait3A_50 = arith.constant 0 : i32
    %dma_wait3A_51 = tpu.memref_slice %arg6[%dma_wait3A_48, %dma_wait3A_49, %dma_wait3A_50] : memref<4x32x512xf32, #tpu.memory_space<vmem>> -> memref<1x32x512xf32, #tpu.memory_space<vmem>>
    %dma_wait3A_52 = tpu.memref_squeeze %dma_wait3A_51 : memref<1x32x512xf32, #tpu.memory_space<vmem>> -> memref<32x512xf32, #tpu.memory_space<vmem>>
    %dma_wait3A_53 = arith.constant 0 : i32
    %dma_wait3A_54 = tpu.memref_slice %arg4[%mul3A_2, %dma_wait3A_53] : memref<16384x512xf32, #tpu.memory_space<hbm>> -> memref<32x512xf32, #tpu.memory_space<hbm>>
    %dma_wait3A_55 = arith.constant 0 : i32
    %dma_wait3A_56 = arith.constant 0 : i32
    %dma_wait3A_57 = tpu.memref_slice %arg6[%dma_wait3A_48, %dma_wait3A_55, %dma_wait3A_56] : memref<4x32x512xf32, #tpu.memory_space<vmem>> -> memref<1x32x512xf32, #tpu.memory_space<vmem>>
    %dma_wait3A_58 = tpu.memref_squeeze %dma_wait3A_57 : memref<1x32x512xf32, #tpu.memory_space<vmem>> -> memref<32x512xf32, #tpu.memory_space<vmem>>
    %dma_wait3A_59 = arith.constant 0 : i32
    %dma_wait3A_60 = tpu.memref_slice %arg4[%mul3A_2, %dma_wait3A_59] : memref<16384x512xf32, #tpu.memory_space<hbm>> -> memref<32x512xf32, #tpu.memory_space<hbm>>
    tpu.wait_dma2 semaphore(%arg9 : memref<!tpu.dma_semaphore, #tpu.memory_space<semaphore_mem>>) src(%dma_wait3A_60 : memref<32x512xf32, #tpu.memory_space<hbm>>) dst(%dma_wait3A_58 : memref<32x512xf32, #tpu.memory_space<vmem>>)
    return
  }
}

</mosaic_0001>

<sc_bundles>
// kernel: kernel.3.cloned.1.call-start
scs
__scs_entry_jumppad:
0x0: {  	(pc) =	sbr.rel $0x88, $3  }
0x1: {  	(tag) =	ssettag $0x0;
	lr =	simm.s32 $0x1  }
0x2: {  	[smem:$0x3F9F] =	sst lr;
	_ =	strace $0xD0000000  }
0x3: {  	_ = 	snop  }
0x4: {  	_ = 	snop  }
0x5: {  	_ = 	snop  }
0x6: {  	_ = 	snop  }
0x7: {  	_ = 	snop  }
__scs_overlays_trampoline_lowered:
0x8: {  	[smem:$0x3FAE] =	sst s0  }
0x9: {  	[smem:$0x3FAF] =	sst s1  }
0xa: {  	[smem:$0x3FB0] =	sst s2  }
0xb: {  	[smem:$0x3FB1] =	sst s3  }
0xc: {  	[smem:$0x3FB2] =	sst s4  }
0xd: {  	[smem:$0x3FB3] =	sst s5  }
0xe: {  	[smem:$0x3FB4] =	sst s6  }
0xf: {  	[smem:$0x3FB5] =	sst s7  }
0x10: {  	[smem:$0x3FB6] =	sst s8  }
0x11: {  	[smem:$0x3FB7] =	sst s9;
	s0 =	simm.s32 @!p0 $0x0  }
0x12: {  	s1 =	sld [smem:$0x3F9D];
	s0 =	simm.s32 @p0 $0x1  }
0x13: {  	[smem:$0x3FB8] =	sst s0;
	s0 =	simm.s32 @!p1 $0x0  }
0x14: {  	s2 =	sld [smem:$0x3F9C];
	s0 =	simm.s32 @p1 $0x1  }
0x15: {  	[smem:$0x3FB9] =	sst s0;
	s0 =	simm.s32 @!p2 $0x0  }
0x16: {  	s3 =	sld [smem:$0x3FDB];
	s0 =	simm.s32 @p2 $0x1  }
0x17: {  	s4 =	simm.s32 $0x1BF5;
	[smem:$0x3FBB] =	sst s0  }
0x18: {  	s0 =	sld [smem:$0x3F9E];
	_ =	swait.ge [sflag:s4], $0x0  }
0x19: {  	s7 =	sld [smem:$0x3F9F]  }
0x1a: {  	s8 =	sadd.s32 $0xFFFFE003, lr  }
0x1b: {  	s9 =	sadd.s32 $0xFFFFFEF7, lr;
	s5 =	simm.s32 $0xFFFFFFFF;
	p2 =	slt.u32 s8, $0xFFFFF086  }
0x1c: {  	p1 =	slt.u32 s9, $0xF7A;
	s5 =	simm.s32 @!p2 $0x0  }
0x1d: {  	s5 =	simm.s32 @p1 $0x1;
	p0 =	seq.s32 s7, s2  }
0x1e: {  	s7 =	smul.u32 @!p0 $0xF7A, s2;
	p2 =	seq.s32 @!p0 s5, $0x0  }
0x1f: {  	s9 =	smul.u32 $0xF7A, s1;
	s8 =	simm.s32 @!p0 $0x1BF5;
	p2 =	por !p2, p0  }
0x20: {  	[sflag:s8] =	ssyncset.s32 @!p0 $0xFFFFF086;
	s6 =	sadd.s32 @!p0 s3, s7;
	s7 =	simm.s32 @!p0 $0x108  }
0x21: {  	s3 =	sadd.s32 s3, s9;
	s6 =	sadd.s32 @!p0 $0x88, s6;
	s7 =	simm.s32 @p2 $0x1082  }
0x22: {  	[simem:s7], [sflag:s8] =	dma.local @!p0 [hbm:s6], $0xF7A  }
0x23: {  	s9 =	sor.u32 $0xD0000000, s2;
	s6 =	simm.s32 $0x108;
	_ =	swait.ge @!p0 [sflag:s8], $0x0  }
0x24: {  	s3 =	sadd.s32 $0x88, s3;
	s6 =	simm.s32 @!p1 $0x1082;
	[sflag:s4] =	ssyncset.s32 $0xFFFFF086  }
0x25: {  	[simem:s6], [sflag:s4] =	dma.local [hbm:s3], $0xF7A  }
0x26: {  	[smem:$0x3F9F] =	sst s1;
	(tag) =	ssettag s2;
	_ =	strace s9  }
0x27: {  	s1 =	sld [smem:$0x3FAF]  }
0x28: {  	s2 =	sld [smem:$0x3FB0]  }
0x29: {  	s4 =	sld [smem:$0x3FB2]  }
0x2a: {  	p0 =	seq.s32 s5, $0x0;
	s5 =	sld [smem:$0x3FB3]  }
0x2b: {  	s6 =	sld [smem:$0x3FB4]  }
0x2c: {  	s7 =	sld [smem:$0x3FB5]  }
0x2d: {  	s3 =	simm.s32 $0x108;
	s8 =	sld [smem:$0x3FB6]  }
0x2e: {  	s3 =	simm.s32 @!p0 $0x1082;
	s9 =	sld [smem:$0x3FB7]  }
0x2f: {  	lr =	sadd.s32 s0, s3;
	s0 =	sld [smem:$0x3FAE]  }
0x30: {  	s3 =	sld [smem:$0x3FB1]  }
0x31: {  	[smem:$0x3FBA] =	sst s10  }
0x32: {  	s10 =	sld [smem:$0x3FB8];
	_ =	sdelay $0x3  }
0x33: {  	p0 =	seq.s32 s10, $0x1;
	s10 =	sld [smem:$0x3FBA];
	_ =	sdelay $0x3  }
0x34: {  	[smem:$0x3FBA] =	sst s10  }
0x35: {  	s10 =	sld [smem:$0x3FB9];
	_ =	sdelay $0x3  }
0x36: {  	p1 =	seq.s32 s10, $0x1;
	s10 =	sld [smem:$0x3FBA];
	_ =	sdelay $0x3  }
0x37: {  	[smem:$0x3FBA] =	sst s10  }
0x38: {  	s10 =	sld [smem:$0x3FBB]  }
0x39: {  	_ = 	snop;
	(pc) =	sbr.ind lr, $3  }
0x3a: {  	_ = 	snop  }
0x3b: {  	_ = 	snop  }
0x3c: {  	p2 =	seq.s32 s10, $0x1;
	s10 =	sld [smem:$0x3FBA]  }
0x3d: {  	_ =	shalt  }
0x3e: {  	_ =	shalt  }
0x3f: {  	_ =	shalt  }
0x40: {  	_ =	shalt  }
0x41: {  	_ =	shalt  }
0x42: {  	_ =	shalt  }
0x43: {  	_ =	shalt  }
0x44: {  	_ =	shalt  }
0x45: {  	_ =	shalt  }
0x46: {  	_ =	shalt  }
0x47: {  	_ =	shalt  }
0x48: {  	_ =	shalt  }
0x49: {  	_ =	shalt  }
0x4a: {  	_ =	shalt  }
0x4b: {  	_ =	shalt  }
0x4c: {  	_ =	shalt  }
0x4d: {  	_ =	shalt  }
0x4e: {  	_ =	shalt  }
0x4f: {  	_ =	shalt  }
0x50: {  	_ =	shalt  }
0x51: {  	_ =	shalt  }
0x52: {  	_ =	shalt  }
0x53: {  	_ =	shalt  }
0x54: {  	_ =	shalt  }
0x55: {  	_ =	shalt  }
0x56: {  	_ =	shalt  }
0x57: {  	_ =	shalt  }
0x58: {  	_ =	shalt  }
0x59: {  	_ =	shalt  }
0x5a: {  	_ =	shalt  }
0x5b: {  	_ =	shalt  }
0x5c: {  	_ =	shalt  }
0x5d: {  	_ =	shalt  }
0x5e: {  	_ =	shalt  }
0x5f: {  	_ =	shalt  }
0x60: {  	_ =	shalt  }
0x61: {  	_ =	shalt  }
0x62: {  	_ =	shalt  }
0x63: {  	_ =	shalt  }
0x64: {  	_ =	shalt  }
0x65: {  	_ =	shalt  }
0x66: {  	_ =	shalt  }
0x67: {  	_ =	shalt  }
0x68: {  	_ =	shalt  }
0x69: {  	_ =	shalt  }
0x6a: {  	_ =	shalt  }
0x6b: {  	_ =	shalt  }
0x6c: {  	_ =	shalt  }
0x6d: {  	_ =	shalt  }
0x6e: {  	_ =	shalt  }
0x6f: {  	_ =	shalt  }
0x70: {  	_ =	shalt  }
0x71: {  	_ =	shalt  }
0x72: {  	_ =	shalt  }
0x73: {  	_ =	shalt  }
0x74: {  	_ =	shalt  }
0x75: {  	_ =	shalt  }
0x76: {  	_ =	shalt  }
0x77: {  	_ =	shalt  }
0x78: {  	_ =	shalt  }
0x79: {  	_ =	shalt  }
0x7a: {  	_ =	shalt  }
0x7b: {  	_ =	shalt  }
0x7c: {  	_ =	shalt  }
0x7d: {  	_ =	shalt  }
0x7e: {  	_ =	shalt  }
0x7f: {  	_ =	shalt  }
0x80: {  	_ =	shalt  }
0x81: {  	_ =	shalt  }
0x82: {  	_ =	shalt  }
0x83: {  	_ =	shalt  }
0x84: {  	_ =	shalt  }
0x85: {  	_ =	shalt  }
0x86: {  	_ =	shalt  }
0x87: {  	_ =	shalt  }
.Lfunc_end0:
.L_simem_size_0:
called_computation_lowered:
.L_overlay_start_0:
0x88: {  	s2 =	sld [smem:$0x3FD9]  }
0x89: {  	s3 =	sld [smem:$0x3FFE];
	_ =	sdelay $0x1  }
0x8a: {  	s1 =	srdreg.scid  }
0x8b: {  	s0 =	sand.u32 $0x1, s1  }
0x8c: {  	s17 =	sshll.u32 s0, $0xA;
	s2 =	sadd.s32 s3, s2  }
0x8d: {  	s2 =	sadd.s32 s2, s17  }
0x8e: {  	[smem:$0x3FC6] =	sst s2  }
0x8f: {  	_ = 	snop  }
0x90: {  	s2 =	sld [smem:$0x3FC9]  }
0x91: {  	s18 =	sld [smem:$0x3FD0];
	(tm) =	ssettm $0x1  }
0x92: {  	s4 =	sld [smem:$0x3FFB];
	_ =	sdelay $0x3  }
0x93: {  	_ =	strace s4  }
0x94: {  	s4 =	sld [smem:$0x3FFC];
	_ =	sdelay $0x3  }
0x95: {  	_ =	strace s4  }
0x96: {  	s4 =	sld [smem:$0x3FFD];
	_ =	sdelay $0x3  }
0x97: {  	_ =	strace s4  }
0x98: {  	_ =	strace $0x8FFFFFFF  }
0x99: {  	s19 =	sld [smem:$0x3FDB];
	_ =	sdelay $0x1  }
0x9a: {  	s5 =	simm.s32 $_scs_section_size  }
0x9b: {  	s6 =	simm.s32 $_size__tile_overlayer_lowered;
	s7 =	simm.s32 $_tile_overlayer_lowered  }
0x9c: {  	s22 =	simm.s32 $0x1BFF;
	s21 =	sshll.u32 s7, $0x1;
	s4 =	sadd.s32 s5, s19  }
0x9d: {  	s8 =	simm.s32 $0x0;
	s20 =	sshll.u32 s6, $0x1;
	s6 =	sadd.s32 s21, s4  }
0x9e: {  	[timem:s8], [sflag:s22] =	dma.local [hbm:s6], s20  }
0x9f: {  	_ =	swait.ge [sflag:s22], s20  }
0xa0: {  	s5 =	ssub.s32 $0x0, s20;
	[sflag:s22] =	ssyncset.done $0x0  }
0xa1: {  	[sflag:s22] =	ssyncadd.s32 s5;
	_ =	sdelay $0x1  }
0xa2: {  	s23 =	simm.s32 $0x1B8B  }
0xa3: {  	_ =	swait.ge [sflag:s23], $0x1  }
0xa4: {  	[sflag:s23] =	ssyncset.done $0x0  }
0xa5: {  	s25 =	simm.s32 $0x1B8E;
	s24 =	sld [smem:$0x3FFE];
	[sflag:s23] =	ssyncadd.s32 $0xFFFFFFFF  }
0xa6: {  	s26 =	simm.s32 $execute0_lowered;
	[smem:$0x3FD2] =	sst s25  }
0xa7: {  	s6 =	sshll.u32 s26, $0x1;
	_ =	strace $0x80000046;
	[dreg:$0x1] =	wrdreg $0xFFFFFFFF  }
0xa8: {  	s28 =	simm.s32 $_size_execute0_lowered;
	s4 =	sadd.s32 s4, s6;
	[dreg:$0x0] =	wrdreg $0x0  }
0xa9: {  	s6 =	sshll.u32 s28, $0x1;
	[dreg:$0x2] =	wrdreg s4  }
0xaa: {  	[dreg:$0x3] =	wrdreg s6  }
0xab: {  	[dreg:$0x4] =	wrdreg $0xC0  }
0xac: {  	_ =	task [dreg:s8], $0x5FFFF  }
0xad: {  	[dreg:$0x1] =	wrdreg $0xFFFFFFFF  }
0xae: {  	[dreg:$0x0] =	wrdreg $0x60  }
0xaf: {  	[dreg:$0x2] =	wrdreg s2  }
0xb0: {  	[dreg:$0x3] =	wrdreg s24  }
0xb1: {  	[dreg:$0x4] =	wrdreg s18  }
0xb2: {  	[dreg:$0x5] =	wrdreg $0x102000  }
0xb3: {  	[dreg:$0x6] =	wrdreg $0x9  }
0xb4: {  	_ =	task.clear_ibuf [dreg:s8], $0x7FFFF;
	_ =	strace $0x90000046  }
0xb5: {  	s29 =	simm.s32 $0x9;
	_ =	strace $0x80000048  }
0xb6: {  	_ =	swait.ge [sflag:s29], $0x1  }
0xb7: {  	[sflag:s29] =	ssyncadd.s32 $0xFFFFFFFF  }
0xb8: {  	_ =	strace $0x90000048  }
0xb9: {  	_ =	sfence  }
0xba: {  	s30 =	sld [smem:$0x0];
	_ =	sdelay $0x2  }
0xbb: {  	s31 =	sshll.u32 s1, $0xD;
	s1 =	sshrl.u32 s1, $0x2  }
0xbc: {  	s3 =	sand.u32 $0x4000, s31;
	s1 =	sadd.s32 s1, s30  }
0xbd: {  	s0 =	sor.u32 s3, s0;
	s1 =	sshll.u32 s1, $0x11  }
0xbe: {  	s0 =	sor.u32 s1, s0  }
0xbf: {  	s0 =	sadd.s32 $0x8F2B, s0  }
0xc0: {  	[sflag:s0] =	ssyncadd.remote.s32 $0x1  }
0xc1: {  	_ =	sfence.sel $0xFFFF  }
0xc2: {  	[dreg:$0x0] =	wrdreg $0xFFFFFFFF;
	(pc) =	sbr.abs _section_cstart, $3  }
0xc3: {  	[dreg:$0x1] =	wrdreg $0xFFFFFFFF  }
0xc4: {  	_ =	task.clear_ibuf [dreg:s8], $0x2FFFF;
	_ =	strace $0x9FFFFFFF  }
0xc5: {  	(tm) =	ssettm $0x7FFFFFFF  }
tec
execute0_lowered:
.L_overlay_start_1:
0x0: {  	(tag) =	ssettag $0x1  }
0x1: {  	s4 =	rddreg [dreg:$0x0]  }
0x2: {  	s3 =	rddreg [dreg:$0x1]  }
0x3: {  	s5 =	rddreg [dreg:$0x2]  }
0x4: {  	s1 =	rddreg [dreg:$0x3]  }
0x5: {  	s0 =	rddreg [dreg:$0x4]  }
0x6: {  	s2 =	simm.s32 $0x0;
	s6 =	srdreg.scid;
	s7 =	stileid.u32  }
0x7: {  	s11 =	simm.s32 $0x0;
	[smem:$0x7FF] =	sst s2;
	s6 =	sand.u32 $0x1, s6  }
0x8: {  	s9 =	sshll.u32 s7, $0xA;
	s3 =	sadd.s32 $0x400, s3;
	p0 =	sne.s32 s7, $0x0  }
0x9: {  	_ =	strace $0x80000047;
	s8 =	ssub.s32 $0x2, s6;
	s6 =	sshll.u32 s6, $0x9  }
0xa: {  	s7 =	sshrl.u32 @!p0 s1, $0x3;
	s10 =	sshrl.u32 s8, $0x1;
	s6 =	sor.u32 s6, s9  }
0xb: {  	s8 =	ssub.s32 s8, s10;
	s9 =	sshrl.u32 s6, $0x3;
	s6 =	sshll.u32 s6, $0x6  }
0xc: {  	s10 =	simm.s32 $0x2;
	s4 =	sadd.s32 s4, s9;
	s5 =	sadd.s32 s5, s6  }
0xd: {  	s6 =	smax.u32 s8, $0x1;
	s8 =	simm.s32 $0x3;
	s9 =	simm.s32 $0x1  }
.LBB2_1:
0xe: {  	s12 =	simm.s32 @!p0 $0x1C03  }
0xf: {  	[spmem:s7], [sflag:s12] =	dma.local @!p0 [hbm:s3], $0x400  }
0x10: {  	s12 =	simm.s32 @!p0 $0x3  }
0x11: {  	_ =	swait.ge @!p0 [sflag:s12], $0x400  }
0x12: {  	[sflag:s12] =	ssyncset.done @!p0 $0x0  }
0x13: {  	[sflag:s12] =	ssyncadd.s32 @!p0 $0xFFFFFC00  }
0x14: {  	[tilespmem:s2], [sflag:$0x3] =	stream.linear.gather [hbm4b:s4+s2], $0x200, $0x38;
	[tilespmem:$0x10400] =	vst v63  }
0x15: {  	_ =	swait.ge [sflag:s8], $0x200  }
0x16: {  	[sflag:s8] =	ssyncset.done $0x0  }
0x17: {  	[sflag:s8] =	ssyncadd.s32 $0xFFFFFE00  }
0x18: {  	s12 =	simm.s32 $0x0;
	[bflag:$0x0] =	sbarrier.arrive $0xFFFF  }
.LBB2_2:
0x19: {  	p1 =	slt.u32 s12, $0x4;
	s14 =	sshll.u32 s12, $0x5  }
0x1a: {  	s13 =	simm.s32 @!p1 $0x2;
	s16 =	sand.u32 $0x3FFFFFE0, s14  }
0x1b: {  	s15 =	sshll.u32 s12, $0xE;
	_ =	swait.ge @!p1 [sflag:s13], $0x4000;
	v0 =	vmov s16  }
0x1c: {  	s31 =	sand.u32 $0xC000, s15;
	s14 =	simm.s32 $0x0;
	[sflag:s13] =	ssyncset.done @!p1 $0x0  }
0x1d: {  	[sflag:s13] =	ssyncadd.s32 @!p1 $0xFFFFC000;
	s13 =	sor.u32 $0x200, s31;
	p1 =	por $0x1, $0x1  }
.LBB2_3:
0x1e: {  	s15 =	sshll.u32 s14, $0x4  }
0x1f: {  	s15 =	sand.u32 $0x3FFFFFF0, s15  }
0x20: {  	v1 =	vld.idx.msk [tilespmem:v0+s15+$0x0 ss:$0x1], $0xffff;
	_ =	sdelay $0x4  }
0x21: {  	(v2sf) =	vpush v1, $0x0;
	_ =	sdelay $0x7  }
0x22: {  	(v2sf) =	vpush v1, $0x1;
	_ =	sdelay $0x6  }
0x23: {  	s19 =	spop (v2sf)  }
0x24: {  	s16 =	sshll.u32 s19, $0x9  }
0x25: {  	s20 =	sshll.u32 s14, $0xD;
	s15 =	sshll.u32 s19, $0x7;
	s16 =	sand.u32 $0xFFFFF000, s16  }
0x26: {  	s14 =	sand.u32 $0x3FFFE000, s20;
	(v2sf) =	vpush v1, $0x2;
	s15 =	sand.u32 $0x380, s15;
	s16 =	sadd.s32 s16, s1  }
0x27: {  	s14 =	sadd.s32 s14, s13;
	s15 =	sadd.s32 s15, s16  }
0x28: {  	[tilespmem:s14], [sflag:$0x1] =	stream.linear.gather [spmem:s15], $0x80, $0x38;
	[tilespmem:$0x10400] =	vst v63  }
0x29: {  	s17 =	sadd.s32 $0x400, s14;
	s16 =	sadd.s32 $0x400, s15  }
0x2a: {  	[tilespmem:s17], [sflag:$0x1] =	stream.linear.gather [spmem:s16], $0x80, $0x38;
	[tilespmem:$0x10400] =	vst v63  }
0x2b: {  	s22 =	sadd.s32 $0x800, s14;
	s24 =	spop (v2sf);
	s21 =	sadd.s32 $0x800, s15  }
0x2c: {  	[tilespmem:s22], [sflag:$0x1] =	stream.linear.gather [spmem:s21], $0x80, $0x38;
	[tilespmem:$0x10400] =	vst v63  }
0x2d: {  	s23 =	sadd.s32 $0xC00, s14;
	s25 =	sshll.u32 s24, $0x9;
	s15 =	sadd.s32 $0xC00, s15  }
0x2e: {  	[tilespmem:s23], [sflag:$0x1] =	stream.linear.gather [spmem:s15], $0x80, $0x38;
	[tilespmem:$0x10400] =	vst v63  }
0x2f: {  	s16 =	sand.u32 $0xFFFFF000, s25;
	s15 =	sshll.u32 s24, $0x7  }
0x30: {  	(v2sf) =	vpush v1, $0x3;
	s16 =	sadd.s32 s16, s1;
	s15 =	sand.u32 $0x380, s15  }
0x31: {  	s26 =	sadd.s32 $0x80, s14;
	s15 =	sadd.s32 s15, s16  }
0x32: {  	[tilespmem:s26], [sflag:$0x1] =	stream.linear.gather [spmem:s15], $0x80, $0x38;
	[tilespmem:$0x10400] =	vst v63  }
0x33: {  	s28 =	sadd.s32 $0x480, s14;
	s16 =	sadd.s32 $0x400, s15  }
0x34: {  	[tilespmem:s28], [sflag:$0x1] =	stream.linear.gather [spmem:s16], $0x80, $0x38;
	[tilespmem:$0x10400] =	vst v63  }
0x35: {  	s30 =	sadd.s32 $0x880, s14;
	s29 =	sadd.s32 $0x800, s15;
	s17 =	spop (v2sf)  }
0x36: {  	[tilespmem:s30], [sflag:$0x1] =	stream.linear.gather [spmem:s29], $0x80, $0x38;
	[tilespmem:$0x10400] =	vst v63  }
0x37: {  	s31 =	sadd.s32 $0xC80, s14;
	s15 =	sadd.s32 $0xC00, s15;
	s18 =	sshll.u32 s17, $0x9  }
0x38: {  	[tilespmem:s31], [sflag:$0x1] =	stream.linear.gather [spmem:s15], $0x80, $0x38;
	[tilespmem:$0x10400] =	vst v63  }
0x39: {  	s16 =	sand.u32 $0xFFFFF000, s18;
	s15 =	sshll.u32 s17, $0x7  }
0x3a: {  	(v2sf) =	vpush v1, $0x4;
	s16 =	sadd.s32 s16, s1;
	s15 =	sand.u32 $0x380, s15  }
0x3b: {  	s19 =	sadd.s32 $0x100, s14;
	s15 =	sadd.s32 s15, s16  }
0x3c: {  	[tilespmem:s19], [sflag:$0x1] =	stream.linear.gather [spmem:s15], $0x80, $0x38;
	[tilespmem:$0x10400] =	vst v63  }
0x3d: {  	s20 =	sadd.s32 $0x500, s14;
	s16 =	sadd.s32 $0x400, s15  }
0x3e: {  	[tilespmem:s20], [sflag:$0x1] =	stream.linear.gather [spmem:s16], $0x80, $0x38;
	[tilespmem:$0x10400] =	vst v63  }
0x3f: {  	s22 =	sadd.s32 $0x900, s14;
	s24 =	spop (v2sf);
	s21 =	sadd.s32 $0x800, s15  }
0x40: {  	[tilespmem:s22], [sflag:$0x1] =	stream.linear.gather [spmem:s21], $0x80, $0x38;
	[tilespmem:$0x10400] =	vst v63  }
0x41: {  	s23 =	sadd.s32 $0xD00, s14;
	s25 =	sshll.u32 s24, $0x9;
	s15 =	sadd.s32 $0xC00, s15  }
0x42: {  	[tilespmem:s23], [sflag:$0x1] =	stream.linear.gather [spmem:s15], $0x80, $0x38;
	[tilespmem:$0x10400] =	vst v63  }
0x43: {  	s16 =	sand.u32 $0xFFFFF000, s25;
	s15 =	sshll.u32 s24, $0x7  }
0x44: {  	(v2sf) =	vpush v1, $0x5;
	s16 =	sadd.s32 s16, s1;
	s15 =	sand.u32 $0x380, s15  }
0x45: {  	s26 =	sadd.s32 $0x180, s14;
	s15 =	sadd.s32 s15, s16  }
0x46: {  	[tilespmem:s26], [sflag:$0x1] =	stream.linear.gather [spmem:s15], $0x80, $0x38;
	[tilespmem:$0x10400] =	vst v63  }
0x47: {  	s28 =	sadd.s32 $0x580, s14;
	s16 =	sadd.s32 $0x400, s15  }
0x48: {  	[tilespmem:s28], [sflag:$0x1] =	stream.linear.gather [spmem:s16], $0x80, $0x38;
	[tilespmem:$0x10400] =	vst v63  }
0x49: {  	s30 =	sadd.s32 $0x980, s14;
	s17 =	spop (v2sf);
	s29 =	sadd.s32 $0x800, s15  }
0x4a: {  	[tilespmem:s30], [sflag:$0x1] =	stream.linear.gather [spmem:s29], $0x80, $0x38;
	[tilespmem:$0x10400] =	vst v63  }
0x4b: {  	s31 =	sadd.s32 $0xD80, s14;
	s18 =	sshll.u32 s17, $0x9;
	s15 =	sadd.s32 $0xC00, s15  }
0x4c: {  	[tilespmem:s31], [sflag:$0x1] =	stream.linear.gather [spmem:s15], $0x80, $0x38;
	[tilespmem:$0x10400] =	vst v63  }
0x4d: {  	s16 =	sand.u32 $0xFFFFF000, s18;
	s15 =	sshll.u32 s17, $0x7  }
0x4e: {  	(v2sf) =	vpush v1, $0x6;
	s16 =	sadd.s32 s16, s1;
	s15 =	sand.u32 $0x380, s15  }
0x4f: {  	s19 =	sadd.s32 $0x200, s14;
	s15 =	sadd.s32 s15, s16  }
0x50: {  	[tilespmem:s19], [sflag:$0x1] =	stream.linear.gather [spmem:s15], $0x80, $0x38;
	[tilespmem:$0x10400] =	vst v63  }
0x51: {  	s20 =	sadd.s32 $0x600, s14;
	s16 =	sadd.s32 $0x400, s15  }
0x52: {  	[tilespmem:s20], [sflag:$0x1] =	stream.linear.gather [spmem:s16], $0x80, $0x38;
	[tilespmem:$0x10400] =	vst v63  }
0x53: {  	s22 =	sadd.s32 $0xA00, s14;
	s24 =	spop (v2sf);
	s21 =	sadd.s32 $0x800, s15  }
0x54: {  	[tilespmem:s22], [sflag:$0x1] =	stream.linear.gather [spmem:s21], $0x80, $0x38;
	[tilespmem:$0x10400] =	vst v63  }
0x55: {  	s23 =	sadd.s32 $0xE00, s14;
	s25 =	sshll.u32 s24, $0x9;
	s15 =	sadd.s32 $0xC00, s15  }
0x56: {  	[tilespmem:s23], [sflag:$0x1] =	stream.linear.gather [spmem:s15], $0x80, $0x38;
	[tilespmem:$0x10400] =	vst v63  }
0x57: {  	s16 =	sand.u32 $0xFFFFF000, s25;
	s15 =	sshll.u32 s24, $0x7  }
0x58: {  	(v2sf) =	vpush v1, $0x7;
	s16 =	sadd.s32 s16, s1;
	s15 =	sand.u32 $0x380, s15  }
0x59: {  	s26 =	sadd.s32 $0x280, s14;
	s15 =	sadd.s32 s15, s16  }
0x5a: {  	[tilespmem:s26], [sflag:$0x1] =	stream.linear.gather [spmem:s15], $0x80, $0x38;
	[tilespmem:$0x10400] =	vst v63  }
0x5b: {  	s28 =	sadd.s32 $0x680, s14;
	s16 =	sadd.s32 $0x400, s15  }
0x5c: {  	[tilespmem:s28], [sflag:$0x1] =	stream.linear.gather [spmem:s16], $0x80, $0x38;
	[tilespmem:$0x10400] =	vst v63  }
0x5d: {  	s30 =	sadd.s32 $0xA80, s14;
	s17 =	spop (v2sf);
	s29 =	sadd.s32 $0x800, s15  }
0x5e: {  	[tilespmem:s30], [sflag:$0x1] =	stream.linear.gather [spmem:s29], $0x80, $0x38;
	[tilespmem:$0x10400] =	vst v63  }
0x5f: {  	s31 =	sadd.s32 $0xE80, s14;
	s18 =	sshll.u32 s17, $0x9;
	s15 =	sadd.s32 $0xC00, s15  }
0x60: {  	[tilespmem:s31], [sflag:$0x1] =	stream.linear.gather [spmem:s15], $0x80, $0x38;
	[tilespmem:$0x10400] =	vst v63  }
0x61: {  	s16 =	sand.u32 $0xFFFFF000, s18;
	s15 =	sshll.u32 s17, $0x7  }
0x62: {  	(v2sf) =	vpush v1, $0x8;
	s16 =	sadd.s32 s16, s1;
	s15 =	sand.u32 $0x380, s15  }
0x63: {  	s19 =	sadd.s32 $0x300, s14;
	s15 =	sadd.s32 s15, s16  }
0x64: {  	[tilespmem:s19], [sflag:$0x1] =	stream.linear.gather [spmem:s15], $0x80, $0x38;
	[tilespmem:$0x10400] =	vst v63  }
0x65: {  	s20 =	sadd.s32 $0x700, s14;
	s16 =	sadd.s32 $0x400, s15  }
0x66: {  	[tilespmem:s20], [sflag:$0x1] =	stream.linear.gather [spmem:s16], $0x80, $0x38;
	[tilespmem:$0x10400] =	vst v63  }
0x67: {  	s22 =	sadd.s32 $0xB00, s14;
	s24 =	spop (v2sf);
	s21 =	sadd.s32 $0x800, s15  }
0x68: {  	[tilespmem:s22], [sflag:$0x1] =	stream.linear.gather [spmem:s21], $0x80, $0x38;
	[tilespmem:$0x10400] =	vst v63  }
0x69: {  	s23 =	sadd.s32 $0xF00, s14;
	s25 =	sshll.u32 s24, $0x9;
	s15 =	sadd.s32 $0xC00, s15  }
0x6a: {  	[tilespmem:s23], [sflag:$0x1] =	stream.linear.gather [spmem:s15], $0x80, $0x38;
	[tilespmem:$0x10400] =	vst v63  }
0x6b: {  	s16 =	sand.u32 $0xFFFFF000, s25;
	s15 =	sshll.u32 s24, $0x7  }
0x6c: {  	(v2sf) =	vpush v1, $0x9;
	s16 =	sadd.s32 s16, s1;
	s15 =	sand.u32 $0x380, s15  }
0x6d: {  	s26 =	sadd.s32 $0x380, s14;
	s15 =	sadd.s32 s15, s16  }
0x6e: {  	[tilespmem:s26], [sflag:$0x1] =	stream.linear.gather [spmem:s15], $0x80, $0x38;
	[tilespmem:$0x10400] =	vst v63  }
0x6f: {  	s28 =	sadd.s32 $0x780, s14;
	s16 =	sadd.s32 $0x400, s15  }
0x70: {  	[tilespmem:s28], [sflag:$0x1] =	stream.linear.gather [spmem:s16], $0x80, $0x38;
	[tilespmem:$0x10400] =	vst v63  }
0x71: {  	s30 =	sadd.s32 $0xB80, s14;
	s17 =	spop (v2sf);
	s29 =	sadd.s32 $0x800, s15  }
0x72: {  	[tilespmem:s30], [sflag:$0x1] =	stream.linear.gather [spmem:s29], $0x80, $0x38;
	[tilespmem:$0x10400] =	vst v63  }
0x73: {  	s31 =	sadd.s32 $0xF80, s14;
	s18 =	sshll.u32 s17, $0x9;
	s15 =	sadd.s32 $0xC00, s15  }
0x74: {  	[tilespmem:s31], [sflag:$0x1] =	stream.linear.gather [spmem:s15], $0x80, $0x38;
	[tilespmem:$0x10400] =	vst v63  }
0x75: {  	s16 =	sand.u32 $0xFFFFF000, s18;
	s15 =	sshll.u32 s17, $0x7  }
0x76: {  	(v2sf) =	vpush v1, $0xA;
	s16 =	sadd.s32 s16, s1;
	s15 =	sand.u32 $0x380, s15  }
0x77: {  	s19 =	sadd.s32 $0x1000, s14;
	s15 =	sadd.s32 s15, s16  }
0x78: {  	[tilespmem:s19], [sflag:$0x1] =	stream.linear.gather [spmem:s15], $0x80, $0x38;
	[tilespmem:$0x10400] =	vst v63  }
0x79: {  	s20 =	sadd.s32 $0x1400, s14;
	s16 =	sadd.s32 $0x400, s15  }
0x7a: {  	[tilespmem:s20], [sflag:$0x1] =	stream.linear.gather [spmem:s16], $0x80, $0x38;
	[tilespmem:$0x10400] =	vst v63  }
0x7b: {  	s22 =	sadd.s32 $0x1800, s14;
	s24 =	spop (v2sf);
	s21 =	sadd.s32 $0x800, s15  }
0x7c: {  	[tilespmem:s22], [sflag:$0x1] =	stream.linear.gather [spmem:s21], $0x80, $0x38;
	[tilespmem:$0x10400] =	vst v63  }
0x7d: {  	s23 =	sadd.s32 $0x1C00, s14;
	s25 =	sshll.u32 s24, $0x9;
	s15 =	sadd.s32 $0xC00, s15  }
0x7e: {  	[tilespmem:s23], [sflag:$0x1] =	stream.linear.gather [spmem:s15], $0x80, $0x38;
	[tilespmem:$0x10400] =	vst v63  }
0x7f: {  	s16 =	sand.u32 $0xFFFFF000, s25;
	s15 =	sshll.u32 s24, $0x7  }
0x80: {  	(v2sf) =	vpush v1, $0xB;
	s16 =	sadd.s32 s16, s1;
	s15 =	sand.u32 $0x380, s15  }
0x81: {  	s26 =	sadd.s32 $0x1080, s14;
	s15 =	sadd.s32 s15, s16  }
0x82: {  	[tilespmem:s26], [sflag:$0x1] =	stream.linear.gather [spmem:s15], $0x80, $0x38;
	[tilespmem:$0x10400] =	vst v63  }
0x83: {  	s28 =	sadd.s32 $0x1480, s14;
	s16 =	sadd.s32 $0x400, s15  }
0x84: {  	[tilespmem:s28], [sflag:$0x1] =	stream.linear.gather [spmem:s16], $0x80, $0x38;
	[tilespmem:$0x10400] =	vst v63  }
0x85: {  	s30 =	sadd.s32 $0x1880, s14;
	s17 =	spop (v2sf);
	s29 =	sadd.s32 $0x800, s15  }
0x86: {  	[tilespmem:s30], [sflag:$0x1] =	stream.linear.gather [spmem:s29], $0x80, $0x38;
	[tilespmem:$0x10400] =	vst v63  }
0x87: {  	s31 =	sadd.s32 $0x1C80, s14;
	s18 =	sshll.u32 s17, $0x9;
	s15 =	sadd.s32 $0xC00, s15  }
0x88: {  	[tilespmem:s31], [sflag:$0x1] =	stream.linear.gather [spmem:s15], $0x80, $0x38;
	[tilespmem:$0x10400] =	vst v63  }
0x89: {  	s16 =	sand.u32 $0xFFFFF000, s18;
	s15 =	sshll.u32 s17, $0x7  }
0x8a: {  	(v2sf) =	vpush v1, $0xC;
	s16 =	sadd.s32 s16, s1;
	s15 =	sand.u32 $0x380, s15  }
0x8b: {  	s19 =	sadd.s32 $0x1100, s14;
	s15 =	sadd.s32 s15, s16  }
0x8c: {  	[tilespmem:s19], [sflag:$0x1] =	stream.linear.gather [spmem:s15], $0x80, $0x38;
	[tilespmem:$0x10400] =	vst v63  }
0x8d: {  	s20 =	sadd.s32 $0x1500, s14;
	s16 =	sadd.s32 $0x400, s15  }
0x8e: {  	[tilespmem:s20], [sflag:$0x1] =	stream.linear.gather [spmem:s16], $0x80, $0x38;
	[tilespmem:$0x10400] =	vst v63  }
0x8f: {  	s22 =	sadd.s32 $0x1900, s14;
	s24 =	spop (v2sf);
	s21 =	sadd.s32 $0x800, s15  }
0x90: {  	[tilespmem:s22], [sflag:$0x1] =	stream.linear.gather [spmem:s21], $0x80, $0x38;
	[tilespmem:$0x10400] =	vst v63  }
0x91: {  	s23 =	sadd.s32 $0x1D00, s14;
	s25 =	sshll.u32 s24, $0x9;
	s15 =	sadd.s32 $0xC00, s15  }
0x92: {  	[tilespmem:s23], [sflag:$0x1] =	stream.linear.gather [spmem:s15], $0x80, $0x38;
	[tilespmem:$0x10400] =	vst v63  }
0x93: {  	s16 =	sand.u32 $0xFFFFF000, s25;
	s15 =	sshll.u32 s24, $0x7  }
0x94: {  	(v2sf) =	vpush v1, $0xD;
	s16 =	sadd.s32 s16, s1;
	s15 =	sand.u32 $0x380, s15  }
0x95: {  	s26 =	sadd.s32 $0x1180, s14;
	s15 =	sadd.s32 s15, s16  }
0x96: {  	[tilespmem:s26], [sflag:$0x1] =	stream.linear.gather [spmem:s15], $0x80, $0x38;
	[tilespmem:$0x10400] =	vst v63  }
0x97: {  	s28 =	sadd.s32 $0x1580, s14;
	s16 =	sadd.s32 $0x400, s15  }
0x98: {  	[tilespmem:s28], [sflag:$0x1] =	stream.linear.gather [spmem:s16], $0x80, $0x38;
	[tilespmem:$0x10400] =	vst v63  }
0x99: {  	s30 =	sadd.s32 $0x1980, s14;
	s17 =	spop (v2sf);
	s29 =	sadd.s32 $0x800, s15  }
0x9a: {  	[tilespmem:s30], [sflag:$0x1] =	stream.linear.gather [spmem:s29], $0x80, $0x38;
	[tilespmem:$0x10400] =	vst v63  }
0x9b: {  	s31 =	sadd.s32 $0x1D80, s14;
	s18 =	sshll.u32 s17, $0x9;
	s15 =	sadd.s32 $0xC00, s15  }
0x9c: {  	[tilespmem:s31], [sflag:$0x1] =	stream.linear.gather [spmem:s15], $0x80, $0x38;
	[tilespmem:$0x10400] =	vst v63  }
0x9d: {  	s16 =	sand.u32 $0xFFFFF000, s18;
	s15 =	sshll.u32 s17, $0x7  }
0x9e: {  	(v2sf) =	vpush v1, $0xE;
	s16 =	sadd.s32 s16, s1;
	s15 =	sand.u32 $0x380, s15  }
0x9f: {  	s19 =	sadd.s32 $0x1200, s14;
	s15 =	sadd.s32 s15, s16  }
0xa0: {  	[tilespmem:s19], [sflag:$0x1] =	stream.linear.gather [spmem:s15], $0x80, $0x38;
	[tilespmem:$0x10400] =	vst v63  }
0xa1: {  	s20 =	sadd.s32 $0x1600, s14;
	s16 =	sadd.s32 $0x400, s15  }
0xa2: {  	[tilespmem:s20], [sflag:$0x1] =	stream.linear.gather [spmem:s16], $0x80, $0x38;
	[tilespmem:$0x10400] =	vst v63  }
0xa3: {  	s22 =	sadd.s32 $0x1A00, s14;
	s24 =	spop (v2sf);
	s21 =	sadd.s32 $0x800, s15  }
0xa4: {  	[tilespmem:s22], [sflag:$0x1] =	stream.linear.gather [spmem:s21], $0x80, $0x38;
	[tilespmem:$0x10400] =	vst v63  }
0xa5: {  	s23 =	sadd.s32 $0x1E00, s14;
	s25 =	sshll.u32 s24, $0x9;
	s15 =	sadd.s32 $0xC00, s15  }
0xa6: {  	[tilespmem:s23], [sflag:$0x1] =	stream.linear.gather [spmem:s15], $0x80, $0x38;
	[tilespmem:$0x10400] =	vst v63  }
0xa7: {  	s16 =	sand.u32 $0xFFFFF000, s25;
	s15 =	sshll.u32 s24, $0x7  }
0xa8: {  	(v2sf) =	vpush v1, $0xF;
	s16 =	sadd.s32 s16, s1;
	s15 =	sand.u32 $0x380, s15  }
0xa9: {  	s26 =	sadd.s32 $0x1280, s14;
	s15 =	sadd.s32 s15, s16  }
0xaa: {  	[tilespmem:s26], [sflag:$0x1] =	stream.linear.gather [spmem:s15], $0x80, $0x38;
	[tilespmem:$0x10400] =	vst v63  }
0xab: {  	s28 =	sadd.s32 $0x1680, s14;
	s16 =	sadd.s32 $0x400, s15  }
0xac: {  	[tilespmem:s28], [sflag:$0x1] =	stream.linear.gather [spmem:s16], $0x80, $0x38;
	[tilespmem:$0x10400] =	vst v63  }
0xad: {  	s30 =	sadd.s32 $0x1A80, s14;
	s31 =	spop (v2sf);
	s29 =	sadd.s32 $0x800, s15  }
0xae: {  	[tilespmem:s30], [sflag:$0x1] =	stream.linear.gather [spmem:s29], $0x80, $0x38;
	[tilespmem:$0x10400] =	vst v63  }
0xaf: {  	s18 =	sadd.s32 $0x1E80, s14;
	s19 =	sshll.u32 s31, $0x9;
	s15 =	sadd.s32 $0xC00, s15  }
0xb0: {  	[tilespmem:s18], [sflag:$0x1] =	stream.linear.gather [spmem:s15], $0x80, $0x38;
	[tilespmem:$0x10400] =	vst v63  }
0xb1: {  	s16 =	sshll.u32 s31, $0x7;
	s15 =	sand.u32 $0xFFFFF000, s19  }
0xb2: {  	s16 =	sand.u32 $0x380, s16;
	s15 =	sadd.s32 s15, s1  }
0xb3: {  	s20 =	sadd.s32 $0x1300, s14;
	s15 =	sadd.s32 s16, s15  }
0xb4: {  	[tilespmem:s20], [sflag:$0x1] =	stream.linear.gather [spmem:s15], $0x80, $0x38;
	[tilespmem:$0x10400] =	vst v63  }
0xb5: {  	s21 =	sadd.s32 $0x1700, s14;
	s16 =	sadd.s32 $0x400, s15  }
0xb6: {  	[tilespmem:s21], [sflag:$0x1] =	stream.linear.gather [spmem:s16], $0x80, $0x38;
	[tilespmem:$0x10400] =	vst v63  }
0xb7: {  	s25 =	spop (v2sf);
	s23 =	sadd.s32 $0x1B00, s14;
	s22 =	sadd.s32 $0x800, s15  }
0xb8: {  	[tilespmem:s23], [sflag:$0x1] =	stream.linear.gather [spmem:s22], $0x80, $0x38;
	[tilespmem:$0x10400] =	vst v63  }
0xb9: {  	s24 =	sadd.s32 $0x1F00, s14;
	s26 =	sshll.u32 s25, $0x9;
	s15 =	sadd.s32 $0xC00, s15  }
0xba: {  	[tilespmem:s24], [sflag:$0x1] =	stream.linear.gather [spmem:s15], $0x80, $0x38;
	[tilespmem:$0x10400] =	vst v63  }
0xbb: {  	s16 =	sand.u32 $0xFFFFF000, s26;
	s15 =	sshll.u32 s25, $0x7  }
0xbc: {  	s16 =	sadd.s32 s16, s1;
	s15 =	sand.u32 $0x380, s15  }
0xbd: {  	s28 =	sadd.s32 $0x1380, s14;
	s15 =	sadd.s32 s15, s16  }
0xbe: {  	[tilespmem:s28], [sflag:$0x1] =	stream.linear.gather [spmem:s15], $0x80, $0x38;
	[tilespmem:$0x10400] =	vst v63  }
0xbf: {  	p2 =	por p1, p1;
	s29 =	sadd.s32 $0x1780, s14;
	s16 =	sadd.s32 $0x400, s15  }
0xc0: {  	[tilespmem:s29], [sflag:$0x1] =	stream.linear.gather [spmem:s16], $0x80, $0x38;
	[tilespmem:$0x10400] =	vst v63  }
.Ltmp0:
0xc1: {  	s31 =	sadd.s32 $0x1B80, s14;
	s30 =	sadd.s32 $0x800, s15;
	(pc) =	sbr.rel @p2 .LBB2_3-.Ltmp0, $4  }
0xc2: {  	[tilespmem:s31], [sflag:$0x1] =	stream.linear.gather [spmem:s30], $0x80, $0x38;
	[tilespmem:$0x10400] =	vst v63  }
0xc3: {  	s14 =	sadd.s32 $0x1F80, s14;
	s15 =	sadd.s32 $0xC00, s15  }
0xc4: {  	[tilespmem:s14], [sflag:$0x1] =	stream.linear.gather [spmem:s15], $0x80, $0x38;
	[tilespmem:$0x10400] =	vst v63  }
0xc5: {  	p1 =	por $0x0, $0x0;
	s14 =	simm.s32 $0x1  }
0xc6: {  	s14 =	sshll.u32 s12, $0xB;
	s12 =	sadd.s32 $0x1, s12  }
0xc7: {  	p1 =	sne.s32 s12, $0x10  }
.Ltmp1:
0xc8: {  	_ = 	snop;
	(pc) =	sbr.rel @p1 .LBB2_2-.Ltmp1, $4  }
0xc9: {  	_ =	swait.ge [sflag:s9], $0x4000  }
0xca: {  	[sflag:s9] =	ssyncset.done $0x0  }
0xcb: {  	s14 =	sadd.s32 s14, s5;
	[sflag:s9] =	ssyncadd.s32 $0xFFFFC000  }
0xcc: {  	[hbm4b:s14+s2] =	stream.linear.scatter [tilespmem:s13], [sflag:$0x2], $0x4000, $0x38;
	[tilespmem:$0x10400] =	vst v63  }
0xcd: {  	_ =	swait.ge [sflag:s10], $0x4000  }
0xce: {  	[sflag:s10] =	ssyncset.done $0x0  }
0xcf: {  	[sflag:s10] =	ssyncadd.s32 $0xFFFFC000  }
0xd0: {  	_ =	swait.ge [sflag:s10], $0x4000  }
0xd1: {  	[sflag:s10] =	ssyncset.done $0x0  }
0xd2: {  	s11 =	sadd.s32 $0x1, s11;
	[sflag:s10] =	ssyncadd.s32 $0xFFFFC000  }
0xd3: {  	p1 =	sne.s32 s11, s6;
	_ =	swait.ge [sflag:s10], $0x4000  }
.Ltmp2:
0xd4: {  	[sflag:s10] =	ssyncset.done $0x0;
	(pc) =	sbr.rel @p1 .LBB2_1-.Ltmp2, $4  }
0xd5: {  	[sflag:s10] =	ssyncadd.s32 $0xFFFFC000  }
0xd6: {  	_ =	swait.ge [sflag:s10], $0x4000  }
0xd7: {  	[sflag:s10] =	ssyncset.done $0x0  }
0xd8: {  	[sflag:s10] =	ssyncadd.s32 $0xFFFFC000  }
0xd9: {  	_ =	sfence.sel $0x180000  }
0xda: {  	[bflag:$0x0] =	sbarrier.arrive $0xFFFF  }
0xdb: {  	_ =	strace $0x90000047  }
0xdc: {  	s0 =	sadd.s32 @!p0 $0x100000, s0;
	[bflag:$0x2] =	sbarrier.arrive $0xFFFF  }
0xdd: {  	[sflag:s0] =	ssyncadd.tile.s32 @!p0 $0x1;
	_ =	shalt  }
.Lfunc_end2:
_tile_overlayer_lowered:
.L_overlay_start_2:
0xde: {  	(tag) =	ssettag $0x2  }
0xdf: {  	s0 =	rddreg [dreg:$0x0];
	s2 =	stileid.u32  }
0xe0: {  	s1 =	rddreg [dreg:$0x1];
	p0 =	sne.s32 s2, $0x0  }
0xe1: {  	s3 =	rddreg [dreg:$0x2];
	[bflag:$0x3] =	sbarrier.arrive $0xFFFF;
	s2 =	simm.s32 @!p0 $0x1C03  }
0xe2: {  	[timem:s3], [sflag:s2] =	dma.local @!p0 [hbm:s0], s1  }
0xe3: {  	s0 =	simm.s32 @!p0 $0x3  }
0xe4: {  	_ =	swait.ge @!p0 [sflag:s0], s1  }
0xe5: {  	s1 =	ssub.s32 @!p0 $0x0, s1;
	[sflag:s0] =	ssyncset.done @!p0 $0x0  }
0xe6: {  	[sflag:s0] =	ssyncadd.s32 @!p0 s1  }
0xe7: {  	[bflag:$0x3] =	sbarrier.arrive $0xFFFF  }
0xe8: {  	_ =	shalt  }

</sc_bundles>
